<compile_context>
chip_gen: v7x
topology: tpu7x:2x2x1
jax: 0.10.2.dev20260603
libtpu: 0.0.44.dev20260713+nightly
codegen_flags: <defaults>
</compile_context>

<pallas_src>
import functools

import jax
import jax.numpy as jnp
from jax import lax
from jax.experimental import pallas as pl
from jax.experimental.pallas import tpu as pltpu
from jax.experimental.pallas import tpu_sc as plsc

NC = 2
NS = 16
LANES = 16
CH = 80


def _table_body(x_ref, v_ref, o_ref):
    o_ref[...] = jnp.dot(x_ref[...], v_ref[...],
                         preferred_element_type=jnp.float32)


def _build_table(x, vbig, blk):
    n = x.shape[0]
    return pl.pallas_call(
        _table_body,
        grid=(n // blk,),
        in_specs=[
            pl.BlockSpec((blk, x.shape[1]), lambda i: (i, 0)),
            pl.BlockSpec(vbig.shape, lambda i: (0, 0)),
        ],
        out_specs=pl.BlockSpec((blk, vbig.shape[1]), lambda i: (i, 0)),
        out_shape=jax.ShapeDtypeStruct((n, vbig.shape[1]), jnp.float32),
    )(x, vbig)


def _sc_edge_kernel(n, np_rows, ept, c_half):
    chunks = ept // CH
    rows_per_tile = np_rows // NS
    nr = np_rows // 128
    mesh = plsc.VectorSubcoreMesh(core_axis_name="c", subcore_axis_name="s")

    def body(ty, tz, srcg, dstg, pg, id_tab, out, out_deg, acc, acc_deg,
             idx_v, dst_v, dstr_v, dstc_v, p_v, yrows_v, zrows_v, oh_v,
             s_gy, s_gz, s_sy, s_sz, s_go, s_ds):
        c = lax.axis_index("c")
        s = lax.axis_index("s")

        zvec = jnp.zeros((LANES,), jnp.float32)

        def zrow(e, _):
            for g in range(c_half // LANES):
                zrows_v[e, pl.ds(g * LANES, LANES)] = zvec
            return 0
        lax.fori_loop(0, CH, zrow, 0)

        row0 = s * rows_per_tile
        done = 0
        while done < rows_per_tile:
            cnt = min(CH, rows_per_tile - done)
            pltpu.sync_copy(zrows_v.at[pl.ds(0, cnt)],
                            acc.at[pl.ds(row0 + done, cnt)])
            done += cnt

        @pl.when(s == 0)
        def _():
            dz = 0
            while dz < nr:
                cz = min(CH, nr - dz)
                pltpu.sync_copy(zrows_v.at[pl.ds(0, cz)],
                                acc_deg.at[pl.ds(dz, cz)])
                dz += cz

        plsc.subcore_barrier()

        def chunk(i, _):
            pltpu.sync_copy(srcg.at[c, s, i], idx_v)

            @pl.when(i > 0)
            def _():
                pltpu.make_async_copy(yrows_v, acc.at[dst_v], s_sy).wait()
                pltpu.make_async_copy(zrows_v, acc.at[dst_v], s_sz).wait()

            pltpu.async_copy(ty.at[idx_v], yrows_v, s_gy)
            pltpu.async_copy(tz.at[idx_v], zrows_v, s_gz)

            pltpu.sync_copy(dstg.at[s, i], dst_v)
            mine = lax.rem(i, NC) == c

            @pl.when(mine)
            def _():
                @pl.when(i >= 2)
                def _():
                    pltpu.make_async_copy(oh_v, acc_deg.at[dstr_v],
                                          s_ds).wait()
                for g in range(CH // LANES):
                    v = dst_v[pl.ds(g * LANES, LANES)]
                    dstr_v[pl.ds(g * LANES, LANES)] = v >> 7
                    dstc_v[pl.ds(g * LANES, LANES)] = v & 127
                pltpu.async_copy(id_tab.at[dstc_v], oh_v, s_go)

            pltpu.sync_copy(pg.at[s, i], p_v)

            pltpu.make_async_copy(ty.at[idx_v], yrows_v, s_gy).wait()
            pltpu.async_copy(yrows_v, acc.at[dst_v], s_sy, add=True)

            pltpu.make_async_copy(tz.at[idx_v], zrows_v, s_gz).wait()

            def edge(e, _):
                p_s = p_v[e, pl.ds(0, LANES)]
                for g in range(c_half // LANES):
                    za = zrows_v[e, pl.ds(g * LANES, LANES)]
                    zrows_v[e, pl.ds(g * LANES, LANES)] = p_s * za
                return 0
            lax.fori_loop(0, CH, edge, 0)

            pltpu.async_copy(zrows_v, acc.at[dst_v], s_sz, add=True)

            @pl.when(mine)
            def _():
                pltpu.make_async_copy(id_tab.at[dstc_v], oh_v, s_go).wait()
                pltpu.async_copy(oh_v, acc_deg.at[dstr_v], s_ds, add=True)
            return 0
        lax.fori_loop(0, chunks, chunk, 0)

        pltpu.make_async_copy(yrows_v, acc.at[dst_v], s_sy).wait()
        pltpu.make_async_copy(zrows_v, acc.at[dst_v], s_sz).wait()
        pltpu.make_async_copy(oh_v, acc_deg.at[dstr_v], s_ds).wait()

        plsc.subcore_barrier()

        pltpu.sync_copy(acc.at[pl.ds(row0, rows_per_tile)],
                        out.at[c, pl.ds(row0, rows_per_tile)])

        @pl.when(s == 0)
        def _():
            pltpu.sync_copy(acc_deg, out_deg.at[c])

    return pl.kernel(
        body,
        out_type=(
            jax.ShapeDtypeStruct((NC, np_rows, c_half), jnp.float32),
            jax.ShapeDtypeStruct((NC, nr, 128), jnp.float32),
        ),
        mesh=mesh,
        scratch_types=[
            pltpu.VMEM_SHARED((np_rows, c_half), jnp.float32),
            pltpu.VMEM_SHARED((nr, 128), jnp.float32),
            pltpu.VMEM((CH,), jnp.int32),
            pltpu.VMEM((CH,), jnp.int32),
            pltpu.VMEM((CH,), jnp.int32),
            pltpu.VMEM((CH,), jnp.int32),
            pltpu.VMEM((CH, LANES), jnp.float32),
            pltpu.VMEM((CH, c_half), jnp.float32),
            pltpu.VMEM((CH, c_half), jnp.float32),
            pltpu.VMEM((CH, 128), jnp.float32),
            pltpu.SemaphoreType.DMA,
            pltpu.SemaphoreType.DMA,
            pltpu.SemaphoreType.DMA,
            pltpu.SemaphoreType.DMA,
            pltpu.SemaphoreType.DMA,
            pltpu.SemaphoreType.DMA,
        ],
    )


def _combine_body(acc_ref, deg_ref, x_ref, root_ref, bias_ref, o_ref, *,
                  c_half):
    agg = jnp.concatenate([acc_ref[0], acc_ref[1]], axis=1)
    deg = deg_ref[0] + deg_ref[1]
    xr = jnp.dot(x_ref[...], root_ref[...],
                 preferred_element_type=jnp.float32)
    o_ref[...] = jnp.maximum(
        agg / jnp.maximum(deg, 1.0) + xr + bias_ref[...], 0.0)


def _combine(acc, deg2d, x, root, bias2d, blk, c_half):
    n, c_in = x.shape
    c_out = root.shape[1]
    return pl.pallas_call(
        functools.partial(_combine_body, c_half=c_half),
        grid=(n // blk,),
        in_specs=[
            pl.BlockSpec((NC, blk, c_half), lambda i: (0, i, 0)),
            pl.BlockSpec((NC, blk, 1), lambda i: (0, i, 0)),
            pl.BlockSpec((blk, c_in), lambda i: (i, 0)),
            pl.BlockSpec((c_in, c_out), lambda i: (0, 0)),
            pl.BlockSpec((1, c_out), lambda i: (0, 0)),
        ],
        out_specs=pl.BlockSpec((blk, c_out), lambda i: (i, 0)),
        out_shape=jax.ShapeDtypeStruct((n, c_out), jnp.float32),
    )(acc, deg2d, x, root, bias2d)


def kernel(x, edge_index, edge_attr, weight, root, bias):
    n, c_in = x.shape
    c_out = root.shape[1]
    c_half = c_out // 2
    e = edge_index.shape[1]

    src = edge_index[0]
    dst = edge_index[1]
    p = edge_attr[:, 0]

    epad = ((e + NS * CH - 1) // (NS * CH)) * (NS * CH)
    np_rows = ((n + 1 + 127) // 128) * 128
    pad = epad - e
    src_p = jnp.concatenate([src, jnp.zeros((pad,), jnp.int32)])
    dst_p = jnp.concatenate([dst, jnp.full((pad,), n, jnp.int32)])
    p_p = jnp.concatenate([p, jnp.zeros((pad,), jnp.float32)])
    ept = epad // NS
    chunks = ept // CH
    p16 = jnp.broadcast_to(p_p[:, None], (epad, LANES)
                           ).reshape(NS, chunks, CH, LANES)
    srcg = jnp.stack([2 * src_p, 2 * src_p + 1]
                     ).reshape(NC, NS, chunks, CH)
    dst_r = dst_p.reshape(NS, chunks, CH)

    w0 = weight[0]
    wd = weight[1] - weight[0]
    ty = _build_table(x, w0, blk=2000).reshape(2 * n, c_half)
    tz = _build_table(x, wd, blk=2000).reshape(2 * n, c_half)
    id_tab = jnp.eye(128, dtype=jnp.float32)

    acc, deg = _sc_edge_kernel(n, np_rows, ept, c_half)(
        ty, tz, srcg, dst_r, p16, id_tab)

    deg2d = deg.reshape(NC, np_rows)[:, :n, None]
    return _combine(acc, deg2d, x, root, bias.reshape(1, c_out), blk=2000,
                    c_half=c_half)

# --- scband reference (transcript-rebuilt; emitter-appended) ---
"""Pipeline reference for scband-splineconv-model-82566451298752 (READ-ONLY COPY).

The authoritative reference and input builder live on the scoring server;
editing this copy changes nothing except your own understanding.
"""

import jax, jax.numpy as jnp
import numpy as np

N = 10000
E = 160000
C_IN = 256
C_OUT = 256
K = 2  # kernel_size for dim=1 spline


def setup_inputs(seed: int = 0) -> dict:
    key = jax.random.key(seed)
    k1, k2, k3, k4, k5 = jax.random.split(key, 5)
    x = jax.random.normal(k1, (N, C_IN), dtype=jnp.float32)
    edge_index = jax.random.randint(k2, (2, E), 0, N, dtype=jnp.int32)
    edge_attr = jax.random.uniform(k3, (E, 1), dtype=jnp.float32)  # pseudo coords in [0,1)
    # SplineConv learned params: weight [K, C_in, C_out], root linear [C_in, C_out], bias [C_out]
    weight = jax.random.normal(k4, (K, C_IN, C_OUT), dtype=jnp.float32) * (1.0 / np.sqrt(K * C_IN))
    root = jax.random.normal(k5, (C_IN, C_OUT), dtype=jnp.float32) * (1.0 / np.sqrt(C_IN))
    bias = jnp.zeros((C_OUT,), dtype=jnp.float32)
    return {"x": x, "edge_index": edge_index, "edge_attr": edge_attr,
            "weight": weight, "root": root, "bias": bias}


def reference(x, edge_index, edge_attr, weight, root, bias):
    # SplineconvModel.forward with num_layers=1, eval mode (dropout is identity),
    # SplineConv(dim=1, kernel_size=2, degree=1, aggr='mean', root_weight=True, bias=True)
    src = edge_index[0]
    dst = edge_index[1]
    n = x.shape[0]
    k = weight.shape[0]
    # degree-1 open B-spline basis over 1-D pseudo coordinate
    p = edge_attr[:, 0]
    v = p * (k - 1)
    f = jnp.floor(v)
    frac = v - f
    i0 = jnp.clip(f.astype(jnp.int32), 0, k - 1)
    i1 = jnp.clip(i0 + 1, 0, k - 1)
    # per-edge coefficient for each kernel weight slice: coeff[e, j] = sum_s basis_s * (wi_s == j)
    coeff = (1.0 - frac)[:, None] * jax.nn.one_hot(i0, k, dtype=x.dtype) \
            + frac[:, None] * jax.nn.one_hot(i1, k, dtype=x.dtype)  # [E, K]
    x_j = x[src]  # gather source features [E, C_in]
    msg = jnp.zeros((x_j.shape[0], weight.shape[2]), dtype=x.dtype)
    for kk in range(k):
        msg = msg + coeff[:, kk:kk + 1] * (x_j @ weight[kk])
    # mean aggregation at destination nodes
    agg = jax.ops.segment_sum(msg, dst, num_segments=n)
    deg = jax.ops.segment_sum(jnp.ones((msg.shape[0],), dtype=x.dtype), dst, num_segments=n)
    agg = agg / jnp.maximum(deg, 1.0)[:, None]
    out = agg + x @ root + bias
    out = jax.nn.relu(out)  # activation='relu'; dropout identity in eval
    return out

if __name__ == "__main__":
    import jax
    _d = setup_inputs()
    print(jax.jit(kernel)(*tuple(_d.values())))

</pallas_src>

<mosaic_0001>
#map = affine_map<(d0, d1) -> (0, 0)>
#map1 = affine_map<(d0, d1) -> (0, 0, 0, 0)>
#map2 = affine_map<(d0, d1) -> (0, 0, 0)>
module attributes {stable_mosaic.version = 14 : i64} {
  func.func @body(%arg0: i32, %arg1: i32, %arg2: memref<20000x128xf32, #tpu.memory_space<hbm>>, %arg3: memref<20000x128xf32, #tpu.memory_space<hbm>>, %arg4: memref<2x16x125x80xi32, #tpu.memory_space<hbm>>, %arg5: memref<16x125x80xi32, #tpu.memory_space<hbm>>, %arg6: memref<16x125x80x16xf32, #tpu.memory_space<hbm>>, %arg7: memref<128x128xf32, #tpu.memory_space<hbm>>, %arg8: memref<2x10112x128xf32, #tpu.memory_space<hbm>>, %arg9: memref<2x79x128xf32, #tpu.memory_space<hbm>>, %arg10: memref<10112x128xf32, #tpu.memory_space<vmem_shared>>, %arg11: memref<79x128xf32, #tpu.memory_space<vmem_shared>>, %arg12: memref<80xi32, #tpu.memory_space<vmem>>, %arg13: memref<80xi32, #tpu.memory_space<vmem>>, %arg14: memref<80xi32, #tpu.memory_space<vmem>>, %arg15: memref<80xi32, #tpu.memory_space<vmem>>, %arg16: memref<80x16xf32, #tpu.memory_space<vmem>>, %arg17: memref<80x128xf32, #tpu.memory_space<vmem>>, %arg18: memref<80x128xf32, #tpu.memory_space<vmem>>, %arg19: memref<80x128xf32, #tpu.memory_space<vmem>>, %arg20: memref<!tpu.dma_semaphore, #tpu.memory_space<semaphore_mem>>, %arg21: memref<!tpu.dma_semaphore, #tpu.memory_space<semaphore_mem>>, %arg22: memref<!tpu.dma_semaphore, #tpu.memory_space<semaphore_mem>>, %arg23: memref<!tpu.dma_semaphore, #tpu.memory_space<semaphore_mem>>, %arg24: memref<!tpu.dma_semaphore, #tpu.memory_space<semaphore_mem>>, %arg25: memref<!tpu.dma_semaphore, #tpu.memory_space<semaphore_mem>>) attributes {dimension_semantics = [#tpu.dimension_semantics<core_parallel>, #tpu.dimension_semantics<subcore_parallel>], iteration_bounds = array<i64: 2, 16>, scalar_prefetch = 0 : i64, scratch_operands = 16 : i64, tpu.core_type = #tpu.core_type<sc_vector_subcore>, window_params = [{transform_indices = #map}, {transform_indices = #map}, {transform_indices = #map1}, {transform_indices = #map2}, {transform_indices = #map1}, {transform_indices = #map}, {transform_indices = #map2}, {transform_indices = #map2}]} {
    %broadcast_in_dim3A = arith.constant 0.000000e+00 : f32
    %broadcast_in_dim3A_0 = vector.broadcast %broadcast_in_dim3A : f32 to vector<16xf32>
    %scan3A = arith.constant 0 : i32
    %scan3A_1 = arith.constant 0 : i32
    %scan3A_2 = arith.constant 80 : i32
    %scan3A_3 = arith.addi %scan3A_1, %scan3A_2 : i32
    %scan3A_4 = arith.constant 1 : i32
    %scan3A_5 = scf.for %scan3A_46 = %scan3A_1 to %scan3A_3 step %scan3A_4 iter_args(%scan3A_47 = %scan3A) -> (i32)  : i32 {
      %swap3A = arith.index_cast %scan3A_46 : i32 to index
      %swap3A_48 = arith.constant 0 : index
      %swap3A_49 = tpu.vector_load %arg18[%swap3A, %swap3A_48] {strides = array<i32>} : memref<80x128xf32, #tpu.memory_space<vmem>>, vector<1x16xf32>,
      %swap3A_50 = vector.shape_cast %swap3A_49 : vector<1x16xf32> to vector<16xf32>
      %swap3A_51 = vector.shape_cast %broadcast_in_dim3A_0 : vector<16xf32> to vector<1x16xf32>
      tpu.vector_store %arg18[%swap3A, %swap3A_48], %swap3A_51 {strides = array<i32>} : memref<80x128xf32, #tpu.memory_space<vmem>>, vector<1x16xf32>,
      %swap3A_52 = arith.index_cast %scan3A_46 : i32 to index
      %swap3A_53 = arith.constant 16 : index
      %swap3A_54 = tpu.vector_load %arg18[%swap3A_52, %swap3A_53] {strides = array<i32>} : memref<80x128xf32, #tpu.memory_space<vmem>>, vector<1x16xf32>,
      %swap3A_55 = vector.shape_cast %swap3A_54 : vector<1x16xf32> to vector<16xf32>
      %swap3A_56 = vector.shape_cast %broadcast_in_dim3A_0 : vector<16xf32> to vector<1x16xf32>
      tpu.vector_store %arg18[%swap3A_52, %swap3A_53], %swap3A_56 {strides = array<i32>} : memref<80x128xf32, #tpu.memory_space<vmem>>, vector<1x16xf32>,
      %swap3A_57 = arith.index_cast %scan3A_46 : i32 to index
      %swap3A_58 = arith.constant 32 : index
      %swap3A_59 = tpu.vector_load %arg18[%swap3A_57, %swap3A_58] {strides = array<i32>} : memref<80x128xf32, #tpu.memory_space<vmem>>, vector<1x16xf32>,
      %swap3A_60 = vector.shape_cast %swap3A_59 : vector<1x16xf32> to vector<16xf32>
      %swap3A_61 = vector.shape_cast %broadcast_in_dim3A_0 : vector<16xf32> to vector<1x16xf32>
      tpu.vector_store %arg18[%swap3A_57, %swap3A_58], %swap3A_61 {strides = array<i32>} : memref<80x128xf32, #tpu.memory_space<vmem>>, vector<1x16xf32>,
      %swap3A_62 = arith.index_cast %scan3A_46 : i32 to index
      %swap3A_63 = arith.constant 48 : index
      %swap3A_64 = tpu.vector_load %arg18[%swap3A_62, %swap3A_63] {strides = array<i32>} : memref<80x128xf32, #tpu.memory_space<vmem>>, vector<1x16xf32>,
      %swap3A_65 = vector.shape_cast %swap3A_64 : vector<1x16xf32> to vector<16xf32>
      %swap3A_66 = vector.shape_cast %broadcast_in_dim3A_0 : vector<16xf32> to vector<1x16xf32>
      tpu.vector_store %arg18[%swap3A_62, %swap3A_63], %swap3A_66 {strides = array<i32>} : memref<80x128xf32, #tpu.memory_space<vmem>>, vector<1x16xf32>,
      %swap3A_67 = arith.index_cast %scan3A_46 : i32 to index
      %swap3A_68 = arith.constant 64 : index
      %swap3A_69 = tpu.vector_load %arg18[%swap3A_67, %swap3A_68] {strides = array<i32>} : memref<80x128xf32, #tpu.memory_space<vmem>>, vector<1x16xf32>,
      %swap3A_70 = vector.shape_cast %swap3A_69 : vector<1x16xf32> to vector<16xf32>
      %swap3A_71 = vector.shape_cast %broadcast_in_dim3A_0 : vector<16xf32> to vector<1x16xf32>
      tpu.vector_store %arg18[%swap3A_67, %swap3A_68], %swap3A_71 {strides = array<i32>} : memref<80x128xf32, #tpu.memory_space<vmem>>, vector<1x16xf32>,
      %swap3A_72 = arith.index_cast %scan3A_46 : i32 to index
      %swap3A_73 = arith.constant 80 : index
      %swap3A_74 = tpu.vector_load %arg18[%swap3A_72, %swap3A_73] {strides = array<i32>} : memref<80x128xf32, #tpu.memory_space<vmem>>, vector<1x16xf32>,
      %swap3A_75 = vector.shape_cast %swap3A_74 : vector<1x16xf32> to vector<16xf32>
      %swap3A_76 = vector.shape_cast %broadcast_in_dim3A_0 : vector<16xf32> to vector<1x16xf32>
      tpu.vector_store %arg18[%swap3A_72, %swap3A_73], %swap3A_76 {strides = array<i32>} : memref<80x128xf32, #tpu.memory_space<vmem>>, vector<1x16xf32>,
      %swap3A_77 = arith.index_cast %scan3A_46 : i32 to index
      %swap3A_78 = arith.constant 96 : index
      %swap3A_79 = tpu.vector_load %arg18[%swap3A_77, %swap3A_78] {strides = array<i32>} : memref<80x128xf32, #tpu.memory_space<vmem>>, vector<1x16xf32>,
      %swap3A_80 = vector.shape_cast %swap3A_79 : vector<1x16xf32> to vector<16xf32>
      %swap3A_81 = vector.shape_cast %broadcast_in_dim3A_0 : vector<16xf32> to vector<1x16xf32>
      tpu.vector_store %arg18[%swap3A_77, %swap3A_78], %swap3A_81 {strides = array<i32>} : memref<80x128xf32, #tpu.memory_space<vmem>>, vector<1x16xf32>,
      %swap3A_82 = arith.index_cast %scan3A_46 : i32 to index
      %swap3A_83 = arith.constant 112 : index
      %swap3A_84 = tpu.vector_load %arg18[%swap3A_82, %swap3A_83] {strides = array<i32>} : memref<80x128xf32, #tpu.memory_space<vmem>>, vector<1x16xf32>,
      %swap3A_85 = vector.shape_cast %swap3A_84 : vector<1x16xf32> to vector<16xf32>
      %swap3A_86 = vector.shape_cast %broadcast_in_dim3A_0 : vector<16xf32> to vector<1x16xf32>
      tpu.vector_store %arg18[%swap3A_82, %swap3A_83], %swap3A_86 {strides = array<i32>} : memref<80x128xf32, #tpu.memory_space<vmem>>, vector<1x16xf32>,
      %scan3A_87 = arith.constant 0 : i32
      scf.yield %scan3A_87 : i32
    }
    %scan3A_6 = arith.constant 80 : i32
    %mul3A = arith.constant 632 : i32
    %mul3A_7 = arith.muli %arg1, %mul3A : i32
    %add3A = arith.constant 0 : i32
    %add3A_8 = arith.addi %mul3A_7, %add3A : i32
    "tpu.region"() ({
      %run_scoped3A = tpu.sem_alloc : memref<!tpu.dma_semaphore, #tpu.memory_space<semaphore_mem>>
      %dma_start3A = arith.constant 0 : i32
      %dma_start3A_46 = arith.constant 0 : i32
      %dma_start3A_47 = tpu.memref_slice %arg18[%dma_start3A, %dma_start3A_46] : memref<80x128xf32, #tpu.memory_space<vmem>> -> memref<80x128xf32, #tpu.memory_space<vmem>>
      %dma_start3A_48 = arith.constant 0 : i32
      %dma_start3A_49 = tpu.memref_slice %arg10[%add3A_8, %dma_start3A_48] : memref<10112x128xf32, #tpu.memory_space<vmem_shared>> -> memref<80x128xf32, #tpu.memory_space<vmem_shared>>
      %dma_start3A_50 = arith.constant 0 : i32
      %dma_start3A_51 = tpu.memref_slice %arg10[%add3A_8, %dma_start3A_50] : memref<10112x128xf32, #tpu.memory_space<vmem_shared>> -> memref<80x128xf32, #tpu.memory_space<vmem_shared>>
      %dma_start3A_52 = arith.constant 0 : i32
      %dma_start3A_53 = arith.constant 0 : i32
      %dma_start3A_54 = tpu.memref_slice %arg18[%dma_start3A_52, %dma_start3A_53] : memref<80x128xf32, #tpu.memory_space<vmem>> -> memref<80x128xf32, #tpu.memory_space<vmem>>
      tpu.enqueue_dma source(%dma_start3A_54 : memref<80x128xf32, #tpu.memory_space<vmem>>) target(%dma_start3A_51 : memref<80x128xf32, #tpu.memory_space<vmem_shared>>) target_semaphore(%run_scoped3A : memref<!tpu.dma_semaphore, #tpu.memory_space<semaphore_mem>>)
      %dma_wait3A_55 = arith.constant 0 : i32
      %dma_wait3A_56 = arith.constant 0 : i32
      %dma_wait3A_57 = tpu.memref_slice %arg18[%dma_wait3A_55, %dma_wait3A_56] : memref<80x128xf32, #tpu.memory_space<vmem>> -> memref<80x128xf32, #tpu.memory_space<vmem>>
      %dma_wait3A_58 = arith.constant 0 : i32
      %dma_wait3A_59 = tpu.memref_slice %arg10[%add3A_8, %dma_wait3A_58] : memref<10112x128xf32, #tpu.memory_space<vmem_shared>> -> memref<80x128xf32, #tpu.memory_space<vmem_shared>>
      %dma_wait3A_60 = arith.constant 0 : i32
      %dma_wait3A_61 = tpu.memref_slice %arg10[%add3A_8, %dma_wait3A_60] : memref<10112x128xf32, #tpu.memory_space<vmem_shared>> -> memref<80x128xf32, #tpu.memory_space<vmem_shared>>
      %dma_wait3A_62 = arith.constant 0 : i32
      %dma_wait3A_63 = arith.constant 0 : i32
      %dma_wait3A_64 = tpu.memref_slice %arg18[%dma_wait3A_62, %dma_wait3A_63] : memref<80x128xf32, #tpu.memory_space<vmem>> -> memref<80x128xf32, #tpu.memory_space<vmem>>
      tpu.wait_dma2 semaphore(%run_scoped3A : memref<!tpu.dma_semaphore, #tpu.memory_space<semaphore_mem>>) src(%dma_wait3A_64 : memref<80x128xf32, #tpu.memory_space<vmem>>) dst(%dma_wait3A_61 : memref<80x128xf32, #tpu.memory_space<vmem_shared>>)
      tpu.yield
    }) : () -> ()
    %add3A_9 = arith.constant 80 : i32
    %add3A_10 = arith.addi %mul3A_7, %add3A_9 : i32
    "tpu.region"() ({
      %run_scoped3A = tpu.sem_alloc : memref<!tpu.dma_semaphore, #tpu.memory_space<semaphore_mem>>
      %dma_start3A = arith.constant 0 : i32
      %dma_start3A_46 = arith.constant 0 : i32
      %dma_start3A_47 = tpu.memref_slice %arg18[%dma_start3A, %dma_start3A_46] : memref<80x128xf32, #tpu.memory_space<vmem>> -> memref<80x128xf32, #tpu.memory_space<vmem>>
      %dma_start3A_48 = arith.constant 0 : i32
      %dma_start3A_49 = tpu.memref_slice %arg10[%add3A_10, %dma_start3A_48] : memref<10112x128xf32, #tpu.memory_space<vmem_shared>> -> memref<80x128xf32, #tpu.memory_space<vmem_shared>>
      %dma_start3A_50 = arith.constant 0 : i32
      %dma_start3A_51 = tpu.memref_slice %arg10[%add3A_10, %dma_start3A_50] : memref<10112x128xf32, #tpu.memory_space<vmem_shared>> -> memref<80x128xf32, #tpu.memory_space<vmem_shared>>
      %dma_start3A_52 = arith.constant 0 : i32
      %dma_start3A_53 = arith.constant 0 : i32
      %dma_start3A_54 = tpu.memref_slice %arg18[%dma_start3A_52, %dma_start3A_53] : memref<80x128xf32, #tpu.memory_space<vmem>> -> memref<80x128xf32, #tpu.memory_space<vmem>>
      tpu.enqueue_dma source(%dma_start3A_54 : memref<80x128xf32, #tpu.memory_space<vmem>>) target(%dma_start3A_51 : memref<80x128xf32, #tpu.memory_space<vmem_shared>>) target_semaphore(%run_scoped3A : memref<!tpu.dma_semaphore, #tpu.memory_space<semaphore_mem>>)
      %dma_wait3A_55 = arith.constant 0 : i32
      %dma_wait3A_56 = arith.constant 0 : i32
      %dma_wait3A_57 = tpu.memref_slice %arg18[%dma_wait3A_55, %dma_wait3A_56] : memref<80x128xf32, #tpu.memory_space<vmem>> -> memref<80x128xf32, #tpu.memory_space<vmem>>
      %dma_wait3A_58 = arith.constant 0 : i32
      %dma_wait3A_59 = tpu.memref_slice %arg10[%add3A_10, %dma_wait3A_58] : memref<10112x128xf32, #tpu.memory_space<vmem_shared>> -> memref<80x128xf32, #tpu.memory_space<vmem_shared>>
      %dma_wait3A_60 = arith.constant 0 : i32
      %dma_wait3A_61 = tpu.memref_slice %arg10[%add3A_10, %dma_wait3A_60] : memref<10112x128xf32, #tpu.memory_space<vmem_shared>> -> memref<80x128xf32, #tpu.memory_space<vmem_shared>>
      %dma_wait3A_62 = arith.constant 0 : i32
      %dma_wait3A_63 = arith.constant 0 : i32
      %dma_wait3A_64 = tpu.memref_slice %arg18[%dma_wait3A_62, %dma_wait3A_63] : memref<80x128xf32, #tpu.memory_space<vmem>> -> memref<80x128xf32, #tpu.memory_space<vmem>>
      tpu.wait_dma2 semaphore(%run_scoped3A : memref<!tpu.dma_semaphore, #tpu.memory_space<semaphore_mem>>) src(%dma_wait3A_64 : memref<80x128xf32, #tpu.memory_space<vmem>>) dst(%dma_wait3A_61 : memref<80x128xf32, #tpu.memory_space<vmem_shared>>)
      tpu.yield
    }) : () -> ()
    %add3A_11 = arith.constant 160 : i32
    %add3A_12 = arith.addi %mul3A_7, %add3A_11 : i32
    "tpu.region"() ({
      %run_scoped3A = tpu.sem_alloc : memref<!tpu.dma_semaphore, #tpu.memory_space<semaphore_mem>>
      %dma_start3A = arith.constant 0 : i32
      %dma_start3A_46 = arith.constant 0 : i32
      %dma_start3A_47 = tpu.memref_slice %arg18[%dma_start3A, %dma_start3A_46] : memref<80x128xf32, #tpu.memory_space<vmem>> -> memref<80x128xf32, #tpu.memory_space<vmem>>
      %dma_start3A_48 = arith.constant 0 : i32
      %dma_start3A_49 = tpu.memref_slice %arg10[%add3A_12, %dma_start3A_48] : memref<10112x128xf32, #tpu.memory_space<vmem_shared>> -> memref<80x128xf32, #tpu.memory_space<vmem_shared>>
      %dma_start3A_50 = arith.constant 0 : i32
      %dma_start3A_51 = tpu.memref_slice %arg10[%add3A_12, %dma_start3A_50] : memref<10112x128xf32, #tpu.memory_space<vmem_shared>> -> memref<80x128xf32, #tpu.memory_space<vmem_shared>>
      %dma_start3A_52 = arith.constant 0 : i32
      %dma_start3A_53 = arith.constant 0 : i32
      %dma_start3A_54 = tpu.memref_slice %arg18[%dma_start3A_52, %dma_start3A_53] : memref<80x128xf32, #tpu.memory_space<vmem>> -> memref<80x128xf32, #tpu.memory_space<vmem>>
      tpu.enqueue_dma source(%dma_start3A_54 : memref<80x128xf32, #tpu.memory_space<vmem>>) target(%dma_start3A_51 : memref<80x128xf32, #tpu.memory_space<vmem_shared>>) target_semaphore(%run_scoped3A : memref<!tpu.dma_semaphore, #tpu.memory_space<semaphore_mem>>)
      %dma_wait3A_55 = arith.constant 0 : i32
      %dma_wait3A_56 = arith.constant 0 : i32
      %dma_wait3A_57 = tpu.memref_slice %arg18[%dma_wait3A_55, %dma_wait3A_56] : memref<80x128xf32, #tpu.memory_space<vmem>> -> memref<80x128xf32, #tpu.memory_space<vmem>>
      %dma_wait3A_58 = arith.constant 0 : i32
      %dma_wait3A_59 = tpu.memref_slice %arg10[%add3A_12, %dma_wait3A_58] : memref<10112x128xf32, #tpu.memory_space<vmem_shared>> -> memref<80x128xf32, #tpu.memory_space<vmem_shared>>
      %dma_wait3A_60 = arith.constant 0 : i32
      %dma_wait3A_61 = tpu.memref_slice %arg10[%add3A_12, %dma_wait3A_60] : memref<10112x128xf32, #tpu.memory_space<vmem_shared>> -> memref<80x128xf32, #tpu.memory_space<vmem_shared>>
      %dma_wait3A_62 = arith.constant 0 : i32
      %dma_wait3A_63 = arith.constant 0 : i32
      %dma_wait3A_64 = tpu.memref_slice %arg18[%dma_wait3A_62, %dma_wait3A_63] : memref<80x128xf32, #tpu.memory_space<vmem>> -> memref<80x128xf32, #tpu.memory_space<vmem>>
      tpu.wait_dma2 semaphore(%run_scoped3A : memref<!tpu.dma_semaphore, #tpu.memory_space<semaphore_mem>>) src(%dma_wait3A_64 : memref<80x128xf32, #tpu.memory_space<vmem>>) dst(%dma_wait3A_61 : memref<80x128xf32, #tpu.memory_space<vmem_shared>>)
      tpu.yield
    }) : () -> ()
    %add3A_13 = arith.constant 240 : i32
    %add3A_14 = arith.addi %mul3A_7, %add3A_13 : i32
    "tpu.region"() ({
      %run_scoped3A = tpu.sem_alloc : memref<!tpu.dma_semaphore, #tpu.memory_space<semaphore_mem>>
      %dma_start3A = arith.constant 0 : i32
      %dma_start3A_46 = arith.constant 0 : i32
      %dma_start3A_47 = tpu.memref_slice %arg18[%dma_start3A, %dma_start3A_46] : memref<80x128xf32, #tpu.memory_space<vmem>> -> memref<80x128xf32, #tpu.memory_space<vmem>>
      %dma_start3A_48 = arith.constant 0 : i32
      %dma_start3A_49 = tpu.memref_slice %arg10[%add3A_14, %dma_start3A_48] : memref<10112x128xf32, #tpu.memory_space<vmem_shared>> -> memref<80x128xf32, #tpu.memory_space<vmem_shared>>
      %dma_start3A_50 = arith.constant 0 : i32
      %dma_start3A_51 = tpu.memref_slice %arg10[%add3A_14, %dma_start3A_50] : memref<10112x128xf32, #tpu.memory_space<vmem_shared>> -> memref<80x128xf32, #tpu.memory_space<vmem_shared>>
      %dma_start3A_52 = arith.constant 0 : i32
      %dma_start3A_53 = arith.constant 0 : i32
      %dma_start3A_54 = tpu.memref_slice %arg18[%dma_start3A_52, %dma_start3A_53] : memref<80x128xf32, #tpu.memory_space<vmem>> -> memref<80x128xf32, #tpu.memory_space<vmem>>
      tpu.enqueue_dma source(%dma_start3A_54 : memref<80x128xf32, #tpu.memory_space<vmem>>) target(%dma_start3A_51 : memref<80x128xf32, #tpu.memory_space<vmem_shared>>) target_semaphore(%run_scoped3A : memref<!tpu.dma_semaphore, #tpu.memory_space<semaphore_mem>>)
      %dma_wait3A_55 = arith.constant 0 : i32
      %dma_wait3A_56 = arith.constant 0 : i32
      %dma_wait3A_57 = tpu.memref_slice %arg18[%dma_wait3A_55, %dma_wait3A_56] : memref<80x128xf32, #tpu.memory_space<vmem>> -> memref<80x128xf32, #tpu.memory_space<vmem>>
      %dma_wait3A_58 = arith.constant 0 : i32
      %dma_wait3A_59 = tpu.memref_slice %arg10[%add3A_14, %dma_wait3A_58] : memref<10112x128xf32, #tpu.memory_space<vmem_shared>> -> memref<80x128xf32, #tpu.memory_space<vmem_shared>>
      %dma_wait3A_60 = arith.constant 0 : i32
      %dma_wait3A_61 = tpu.memref_slice %arg10[%add3A_14, %dma_wait3A_60] : memref<10112x128xf32, #tpu.memory_space<vmem_shared>> -> memref<80x128xf32, #tpu.memory_space<vmem_shared>>
      %dma_wait3A_62 = arith.constant 0 : i32
      %dma_wait3A_63 = arith.constant 0 : i32
      %dma_wait3A_64 = tpu.memref_slice %arg18[%dma_wait3A_62, %dma_wait3A_63] : memref<80x128xf32, #tpu.memory_space<vmem>> -> memref<80x128xf32, #tpu.memory_space<vmem>>
      tpu.wait_dma2 semaphore(%run_scoped3A : memref<!tpu.dma_semaphore, #tpu.memory_space<semaphore_mem>>) src(%dma_wait3A_64 : memref<80x128xf32, #tpu.memory_space<vmem>>) dst(%dma_wait3A_61 : memref<80x128xf32, #tpu.memory_space<vmem_shared>>)
      tpu.yield
    }) : () -> ()
    %add3A_15 = arith.constant 320 : i32
    %add3A_16 = arith.addi %mul3A_7, %add3A_15 : i32
    "tpu.region"() ({
      %run_scoped3A = tpu.sem_alloc : memref<!tpu.dma_semaphore, #tpu.memory_space<semaphore_mem>>
      %dma_start3A = arith.constant 0 : i32
      %dma_start3A_46 = arith.constant 0 : i32
      %dma_start3A_47 = tpu.memref_slice %arg18[%dma_start3A, %dma_start3A_46] : memref<80x128xf32, #tpu.memory_space<vmem>> -> memref<80x128xf32, #tpu.memory_space<vmem>>
      %dma_start3A_48 = arith.constant 0 : i32
      %dma_start3A_49 = tpu.memref_slice %arg10[%add3A_16, %dma_start3A_48] : memref<10112x128xf32, #tpu.memory_space<vmem_shared>> -> memref<80x128xf32, #tpu.memory_space<vmem_shared>>
      %dma_start3A_50 = arith.constant 0 : i32
      %dma_start3A_51 = tpu.memref_slice %arg10[%add3A_16, %dma_start3A_50] : memref<10112x128xf32, #tpu.memory_space<vmem_shared>> -> memref<80x128xf32, #tpu.memory_space<vmem_shared>>
      %dma_start3A_52 = arith.constant 0 : i32
      %dma_start3A_53 = arith.constant 0 : i32
      %dma_start3A_54 = tpu.memref_slice %arg18[%dma_start3A_52, %dma_start3A_53] : memref<80x128xf32, #tpu.memory_space<vmem>> -> memref<80x128xf32, #tpu.memory_space<vmem>>
      tpu.enqueue_dma source(%dma_start3A_54 : memref<80x128xf32, #tpu.memory_space<vmem>>) target(%dma_start3A_51 : memref<80x128xf32, #tpu.memory_space<vmem_shared>>) target_semaphore(%run_scoped3A : memref<!tpu.dma_semaphore, #tpu.memory_space<semaphore_mem>>)
      %dma_wait3A_55 = arith.constant 0 : i32
      %dma_wait3A_56 = arith.constant 0 : i32
      %dma_wait3A_57 = tpu.memref_slice %arg18[%dma_wait3A_55, %dma_wait3A_56] : memref<80x128xf32, #tpu.memory_space<vmem>> -> memref<80x128xf32, #tpu.memory_space<vmem>>
      %dma_wait3A_58 = arith.constant 0 : i32
      %dma_wait3A_59 = tpu.memref_slice %arg10[%add3A_16, %dma_wait3A_58] : memref<10112x128xf32, #tpu.memory_space<vmem_shared>> -> memref<80x128xf32, #tpu.memory_space<vmem_shared>>
      %dma_wait3A_60 = arith.constant 0 : i32
      %dma_wait3A_61 = tpu.memref_slice %arg10[%add3A_16, %dma_wait3A_60] : memref<10112x128xf32, #tpu.memory_space<vmem_shared>> -> memref<80x128xf32, #tpu.memory_space<vmem_shared>>
      %dma_wait3A_62 = arith.constant 0 : i32
      %dma_wait3A_63 = arith.constant 0 : i32
      %dma_wait3A_64 = tpu.memref_slice %arg18[%dma_wait3A_62, %dma_wait3A_63] : memref<80x128xf32, #tpu.memory_space<vmem>> -> memref<80x128xf32, #tpu.memory_space<vmem>>
      tpu.wait_dma2 semaphore(%run_scoped3A : memref<!tpu.dma_semaphore, #tpu.memory_space<semaphore_mem>>) src(%dma_wait3A_64 : memref<80x128xf32, #tpu.memory_space<vmem>>) dst(%dma_wait3A_61 : memref<80x128xf32, #tpu.memory_space<vmem_shared>>)
      tpu.yield
    }) : () -> ()
    %add3A_17 = arith.constant 400 : i32
    %add3A_18 = arith.addi %mul3A_7, %add3A_17 : i32
    "tpu.region"() ({
      %run_scoped3A = tpu.sem_alloc : memref<!tpu.dma_semaphore, #tpu.memory_space<semaphore_mem>>
      %dma_start3A = arith.constant 0 : i32
      %dma_start3A_46 = arith.constant 0 : i32
      %dma_start3A_47 = tpu.memref_slice %arg18[%dma_start3A, %dma_start3A_46] : memref<80x128xf32, #tpu.memory_space<vmem>> -> memref<80x128xf32, #tpu.memory_space<vmem>>
      %dma_start3A_48 = arith.constant 0 : i32
      %dma_start3A_49 = tpu.memref_slice %arg10[%add3A_18, %dma_start3A_48] : memref<10112x128xf32, #tpu.memory_space<vmem_shared>> -> memref<80x128xf32, #tpu.memory_space<vmem_shared>>
      %dma_start3A_50 = arith.constant 0 : i32
      %dma_start3A_51 = tpu.memref_slice %arg10[%add3A_18, %dma_start3A_50] : memref<10112x128xf32, #tpu.memory_space<vmem_shared>> -> memref<80x128xf32, #tpu.memory_space<vmem_shared>>
      %dma_start3A_52 = arith.constant 0 : i32
      %dma_start3A_53 = arith.constant 0 : i32
      %dma_start3A_54 = tpu.memref_slice %arg18[%dma_start3A_52, %dma_start3A_53] : memref<80x128xf32, #tpu.memory_space<vmem>> -> memref<80x128xf32, #tpu.memory_space<vmem>>
      tpu.enqueue_dma source(%dma_start3A_54 : memref<80x128xf32, #tpu.memory_space<vmem>>) target(%dma_start3A_51 : memref<80x128xf32, #tpu.memory_space<vmem_shared>>) target_semaphore(%run_scoped3A : memref<!tpu.dma_semaphore, #tpu.memory_space<semaphore_mem>>)
      %dma_wait3A_55 = arith.constant 0 : i32
      %dma_wait3A_56 = arith.constant 0 : i32
      %dma_wait3A_57 = tpu.memref_slice %arg18[%dma_wait3A_55, %dma_wait3A_56] : memref<80x128xf32, #tpu.memory_space<vmem>> -> memref<80x128xf32, #tpu.memory_space<vmem>>
      %dma_wait3A_58 = arith.constant 0 : i32
      %dma_wait3A_59 = tpu.memref_slice %arg10[%add3A_18, %dma_wait3A_58] : memref<10112x128xf32, #tpu.memory_space<vmem_shared>> -> memref<80x128xf32, #tpu.memory_space<vmem_shared>>
      %dma_wait3A_60 = arith.constant 0 : i32
      %dma_wait3A_61 = tpu.memref_slice %arg10[%add3A_18, %dma_wait3A_60] : memref<10112x128xf32, #tpu.memory_space<vmem_shared>> -> memref<80x128xf32, #tpu.memory_space<vmem_shared>>
      %dma_wait3A_62 = arith.constant 0 : i32
      %dma_wait3A_63 = arith.constant 0 : i32
      %dma_wait3A_64 = tpu.memref_slice %arg18[%dma_wait3A_62, %dma_wait3A_63] : memref<80x128xf32, #tpu.memory_space<vmem>> -> memref<80x128xf32, #tpu.memory_space<vmem>>
      tpu.wait_dma2 semaphore(%run_scoped3A : memref<!tpu.dma_semaphore, #tpu.memory_space<semaphore_mem>>) src(%dma_wait3A_64 : memref<80x128xf32, #tpu.memory_space<vmem>>) dst(%dma_wait3A_61 : memref<80x128xf32, #tpu.memory_space<vmem_shared>>)
      tpu.yield
    }) : () -> ()
    %add3A_19 = arith.constant 480 : i32
    %add3A_20 = arith.addi %mul3A_7, %add3A_19 : i32
    "tpu.region"() ({
      %run_scoped3A = tpu.sem_alloc : memref<!tpu.dma_semaphore, #tpu.memory_space<semaphore_mem>>
      %dma_start3A = arith.constant 0 : i32
      %dma_start3A_46 = arith.constant 0 : i32
      %dma_start3A_47 = tpu.memref_slice %arg18[%dma_start3A, %dma_start3A_46] : memref<80x128xf32, #tpu.memory_space<vmem>> -> memref<80x128xf32, #tpu.memory_space<vmem>>
      %dma_start3A_48 = arith.constant 0 : i32
      %dma_start3A_49 = tpu.memref_slice %arg10[%add3A_20, %dma_start3A_48] : memref<10112x128xf32, #tpu.memory_space<vmem_shared>> -> memref<80x128xf32, #tpu.memory_space<vmem_shared>>
      %dma_start3A_50 = arith.constant 0 : i32
      %dma_start3A_51 = tpu.memref_slice %arg10[%add3A_20, %dma_start3A_50] : memref<10112x128xf32, #tpu.memory_space<vmem_shared>> -> memref<80x128xf32, #tpu.memory_space<vmem_shared>>
      %dma_start3A_52 = arith.constant 0 : i32
      %dma_start3A_53 = arith.constant 0 : i32
      %dma_start3A_54 = tpu.memref_slice %arg18[%dma_start3A_52, %dma_start3A_53] : memref<80x128xf32, #tpu.memory_space<vmem>> -> memref<80x128xf32, #tpu.memory_space<vmem>>
      tpu.enqueue_dma source(%dma_start3A_54 : memref<80x128xf32, #tpu.memory_space<vmem>>) target(%dma_start3A_51 : memref<80x128xf32, #tpu.memory_space<vmem_shared>>) target_semaphore(%run_scoped3A : memref<!tpu.dma_semaphore, #tpu.memory_space<semaphore_mem>>)
      %dma_wait3A_55 = arith.constant 0 : i32
      %dma_wait3A_56 = arith.constant 0 : i32
      %dma_wait3A_57 = tpu.memref_slice %arg18[%dma_wait3A_55, %dma_wait3A_56] : memref<80x128xf32, #tpu.memory_space<vmem>> -> memref<80x128xf32, #tpu.memory_space<vmem>>
      %dma_wait3A_58 = arith.constant 0 : i32
      %dma_wait3A_59 = tpu.memref_slice %arg10[%add3A_20, %dma_wait3A_58] : memref<10112x128xf32, #tpu.memory_space<vmem_shared>> -> memref<80x128xf32, #tpu.memory_space<vmem_shared>>
      %dma_wait3A_60 = arith.constant 0 : i32
      %dma_wait3A_61 = tpu.memref_slice %arg10[%add3A_20, %dma_wait3A_60] : memref<10112x128xf32, #tpu.memory_space<vmem_shared>> -> memref<80x128xf32, #tpu.memory_space<vmem_shared>>
      %dma_wait3A_62 = arith.constant 0 : i32
      %dma_wait3A_63 = arith.constant 0 : i32
      %dma_wait3A_64 = tpu.memref_slice %arg18[%dma_wait3A_62, %dma_wait3A_63] : memref<80x128xf32, #tpu.memory_space<vmem>> -> memref<80x128xf32, #tpu.memory_space<vmem>>
      tpu.wait_dma2 semaphore(%run_scoped3A : memref<!tpu.dma_semaphore, #tpu.memory_space<semaphore_mem>>) src(%dma_wait3A_64 : memref<80x128xf32, #tpu.memory_space<vmem>>) dst(%dma_wait3A_61 : memref<80x128xf32, #tpu.memory_space<vmem_shared>>)
      tpu.yield
    }) : () -> ()
    %add3A_21 = arith.constant 560 : i32
    %add3A_22 = arith.addi %mul3A_7, %add3A_21 : i32
    "tpu.region"() ({
      %run_scoped3A = tpu.sem_alloc : memref<!tpu.dma_semaphore, #tpu.memory_space<semaphore_mem>>
      %dma_start3A = arith.constant 0 : i32
      %dma_start3A_46 = arith.constant 0 : i32
      %dma_start3A_47 = tpu.memref_slice %arg18[%dma_start3A, %dma_start3A_46] : memref<80x128xf32, #tpu.memory_space<vmem>> -> memref<72x128xf32, #tpu.memory_space<vmem>>
      %dma_start3A_48 = arith.constant 0 : i32
      %dma_start3A_49 = tpu.memref_slice %arg10[%add3A_22, %dma_start3A_48] : memref<10112x128xf32, #tpu.memory_space<vmem_shared>> -> memref<72x128xf32, #tpu.memory_space<vmem_shared>>
      %dma_start3A_50 = arith.constant 0 : i32
      %dma_start3A_51 = tpu.memref_slice %arg10[%add3A_22, %dma_start3A_50] : memref<10112x128xf32, #tpu.memory_space<vmem_shared>> -> memref<72x128xf32, #tpu.memory_space<vmem_shared>>
      %dma_start3A_52 = arith.constant 0 : i32
      %dma_start3A_53 = arith.constant 0 : i32
      %dma_start3A_54 = tpu.memref_slice %arg18[%dma_start3A_52, %dma_start3A_53] : memref<80x128xf32, #tpu.memory_space<vmem>> -> memref<72x128xf32, #tpu.memory_space<vmem>>
      tpu.enqueue_dma source(%dma_start3A_54 : memref<72x128xf32, #tpu.memory_space<vmem>>) target(%dma_start3A_51 : memref<72x128xf32, #tpu.memory_space<vmem_shared>>) target_semaphore(%run_scoped3A : memref<!tpu.dma_semaphore, #tpu.memory_space<semaphore_mem>>)
      %dma_wait3A_55 = arith.constant 0 : i32
      %dma_wait3A_56 = arith.constant 0 : i32
      %dma_wait3A_57 = tpu.memref_slice %arg18[%dma_wait3A_55, %dma_wait3A_56] : memref<80x128xf32, #tpu.memory_space<vmem>> -> memref<72x128xf32, #tpu.memory_space<vmem>>
      %dma_wait3A_58 = arith.constant 0 : i32
      %dma_wait3A_59 = tpu.memref_slice %arg10[%add3A_22, %dma_wait3A_58] : memref<10112x128xf32, #tpu.memory_space<vmem_shared>> -> memref<72x128xf32, #tpu.memory_space<vmem_shared>>
      %dma_wait3A_60 = arith.constant 0 : i32
      %dma_wait3A_61 = tpu.memref_slice %arg10[%add3A_22, %dma_wait3A_60] : memref<10112x128xf32, #tpu.memory_space<vmem_shared>> -> memref<72x128xf32, #tpu.memory_space<vmem_shared>>
      %dma_wait3A_62 = arith.constant 0 : i32
      %dma_wait3A_63 = arith.constant 0 : i32
      %dma_wait3A_64 = tpu.memref_slice %arg18[%dma_wait3A_62, %dma_wait3A_63] : memref<80x128xf32, #tpu.memory_space<vmem>> -> memref<72x128xf32, #tpu.memory_space<vmem>>
      tpu.wait_dma2 semaphore(%run_scoped3A : memref<!tpu.dma_semaphore, #tpu.memory_space<semaphore_mem>>) src(%dma_wait3A_64 : memref<72x128xf32, #tpu.memory_space<vmem>>) dst(%dma_wait3A_61 : memref<72x128xf32, #tpu.memory_space<vmem_shared>>)
      tpu.yield
    }) : () -> ()
    %eq3A = arith.constant 0 : i32
    %eq3A_23 = arith.cmpi eq, %arg1, %eq3A : i32
    %convert_element_type3A = arith.extui %eq3A_23 : i1 to i32
    %cond3A = arith.constant 0 : i32
    %cond3A_24 = arith.cmpi ne, %convert_element_type3A, %cond3A : i32
    scf.if %cond3A_24 {
      "tpu.region"() ({
        %run_scoped3A = tpu.sem_alloc : memref<!tpu.dma_semaphore, #tpu.memory_space<semaphore_mem>>
        %dma_start3A = arith.constant 0 : i32
        %dma_start3A_46 = arith.constant 0 : i32
        %dma_start3A_47 = tpu.memref_slice %arg18[%dma_start3A, %dma_start3A_46] : memref<80x128xf32, #tpu.memory_space<vmem>> -> memref<79x128xf32, #tpu.memory_space<vmem>>
        %dma_start3A_48 = arith.constant 0 : i32
        %dma_start3A_49 = arith.constant 0 : i32
        %dma_start3A_50 = tpu.memref_slice %arg11[%dma_start3A_48, %dma_start3A_49] : memref<79x128xf32, #tpu.memory_space<vmem_shared>> -> memref<79x128xf32, #tpu.memory_space<vmem_shared>>
        %dma_start3A_51 = arith.constant 0 : i32
        %dma_start3A_52 = arith.constant 0 : i32
        %dma_start3A_53 = tpu.memref_slice %arg11[%dma_start3A_51, %dma_start3A_52] : memref<79x128xf32, #tpu.memory_space<vmem_shared>> -> memref<79x128xf32, #tpu.memory_space<vmem_shared>>
        %dma_start3A_54 = arith.constant 0 : i32
        %dma_start3A_55 = arith.constant 0 : i32
        %dma_start3A_56 = tpu.memref_slice %arg18[%dma_start3A_54, %dma_start3A_55] : memref<80x128xf32, #tpu.memory_space<vmem>> -> memref<79x128xf32, #tpu.memory_space<vmem>>
        tpu.enqueue_dma source(%dma_start3A_56 : memref<79x128xf32, #tpu.memory_space<vmem>>) target(%dma_start3A_53 : memref<79x128xf32, #tpu.memory_space<vmem_shared>>) target_semaphore(%run_scoped3A : memref<!tpu.dma_semaphore, #tpu.memory_space<semaphore_mem>>)
        %dma_wait3A_57 = arith.constant 0 : i32
        %dma_wait3A_58 = arith.constant 0 : i32
        %dma_wait3A_59 = tpu.memref_slice %arg18[%dma_wait3A_57, %dma_wait3A_58] : memref<80x128xf32, #tpu.memory_space<vmem>> -> memref<79x128xf32, #tpu.memory_space<vmem>>
        %dma_wait3A_60 = arith.constant 0 : i32
        %dma_wait3A_61 = arith.constant 0 : i32
        %dma_wait3A_62 = tpu.memref_slice %arg11[%dma_wait3A_60, %dma_wait3A_61] : memref<79x128xf32, #tpu.memory_space<vmem_shared>> -> memref<79x128xf32, #tpu.memory_space<vmem_shared>>
        %dma_wait3A_63 = arith.constant 0 : i32
        %dma_wait3A_64 = arith.constant 0 : i32
        %dma_wait3A_65 = tpu.memref_slice %arg11[%dma_wait3A_63, %dma_wait3A_64] : memref<79x128xf32, #tpu.memory_space<vmem_shared>> -> memref<79x128xf32, #tpu.memory_space<vmem_shared>>
        %dma_wait3A_66 = arith.constant 0 : i32
        %dma_wait3A_67 = arith.constant 0 : i32
        %dma_wait3A_68 = tpu.memref_slice %arg18[%dma_wait3A_66, %dma_wait3A_67] : memref<80x128xf32, #tpu.memory_space<vmem>> -> memref<79x128xf32, #tpu.memory_space<vmem>>
        tpu.wait_dma2 semaphore(%run_scoped3A : memref<!tpu.dma_semaphore, #tpu.memory_space<semaphore_mem>>) src(%dma_wait3A_68 : memref<79x128xf32, #tpu.memory_space<vmem>>) dst(%dma_wait3A_65 : memref<79x128xf32, #tpu.memory_space<vmem_shared>>)
        tpu.yield
      }) : () -> ()
    } else {
    }
    %barrier3A = arith.constant 0 : index
    tpu.barrier barrier_id(%barrier3A)
    %scan3A_25 = arith.constant 0 : i32
    %scan3A_26 = arith.constant 0 : i32
    %scan3A_27 = arith.constant 125 : i32
    %scan3A_28 = arith.addi %scan3A_26, %scan3A_27 : i32
    %scan3A_29 = arith.constant 1 : i32
    %scan3A_30 = scf.for %scan3A_46 = %scan3A_26 to %scan3A_28 step %scan3A_29 iter_args(%scan3A_47 = %scan3A_25) -> (i32)  : i32 {
      "tpu.region"() ({
        %run_scoped3A = tpu.sem_alloc : memref<!tpu.dma_semaphore, #tpu.memory_space<semaphore_mem>>
        %dma_start3A_85 = arith.constant 0 : i32
        %dma_start3A_86 = tpu.memref_slice %arg4[%arg0, %arg1, %scan3A_46, %dma_start3A_85] : memref<2x16x125x80xi32, #tpu.memory_space<hbm>> -> memref<1x1x1x80xi32, #tpu.memory_space<hbm>>
        %dma_start3A_87 = tpu.memref_squeeze %dma_start3A_86 : memref<1x1x1x80xi32, #tpu.memory_space<hbm>> -> memref<80xi32, #tpu.memory_space<hbm>>
        %dma_start3A_88 = arith.constant 0 : i32
        %dma_start3A_89 = tpu.memref_slice %arg4[%arg0, %arg1, %scan3A_46, %dma_start3A_88] : memref<2x16x125x80xi32, #tpu.memory_space<hbm>> -> memref<1x1x1x80xi32, #tpu.memory_space<hbm>>
        %dma_start3A_90 = tpu.memref_squeeze %dma_start3A_89 : memref<1x1x1x80xi32, #tpu.memory_space<hbm>> -> memref<80xi32, #tpu.memory_space<hbm>>
        tpu.enqueue_dma source(%dma_start3A_90 : memref<80xi32, #tpu.memory_space<hbm>>) target(%arg12 : memref<80xi32, #tpu.memory_space<vmem>>) target_semaphore(%run_scoped3A : memref<!tpu.dma_semaphore, #tpu.memory_space<semaphore_mem>>)
        %dma_wait3A_91 = arith.constant 0 : i32
        %dma_wait3A_92 = tpu.memref_slice %arg4[%arg0, %arg1, %scan3A_46, %dma_wait3A_91] : memref<2x16x125x80xi32, #tpu.memory_space<hbm>> -> memref<1x1x1x80xi32, #tpu.memory_space<hbm>>
        %dma_wait3A_93 = tpu.memref_squeeze %dma_wait3A_92 : memref<1x1x1x80xi32, #tpu.memory_space<hbm>> -> memref<80xi32, #tpu.memory_space<hbm>>
        %dma_wait3A_94 = arith.constant 0 : i32
        %dma_wait3A_95 = tpu.memref_slice %arg4[%arg0, %arg1, %scan3A_46, %dma_wait3A_94] : memref<2x16x125x80xi32, #tpu.memory_space<hbm>> -> memref<1x1x1x80xi32, #tpu.memory_space<hbm>>
        %dma_wait3A_96 = tpu.memref_squeeze %dma_wait3A_95 : memref<1x1x1x80xi32, #tpu.memory_space<hbm>> -> memref<80xi32, #tpu.memory_space<hbm>>
        tpu.wait_dma2 semaphore(%run_scoped3A : memref<!tpu.dma_semaphore, #tpu.memory_space<semaphore_mem>>) src(%dma_wait3A_96 : memref<80xi32, #tpu.memory_space<hbm>>) dst(%arg12 : memref<80xi32, #tpu.memory_space<vmem>>)
        tpu.yield
      }) : () -> ()
      %gt3A = arith.constant 0 : i32
      %gt3A_48 = arith.cmpi sgt, %scan3A_46, %gt3A : i32
      %convert_element_type3A_49 = arith.extui %gt3A_48 : i1 to i32
      %cond3A_50 = arith.constant 0 : i32
      %cond3A_51 = arith.cmpi ne, %convert_element_type3A_49, %cond3A_50 : i32
      scf.if %cond3A_51 {
        %dma_wait3A_85 = arith.constant 0 : i32
        %dma_wait3A_86 = arith.constant 0 : i32
        %dma_wait3A_87 = tpu.memref_slice %arg10[%dma_wait3A_85, %dma_wait3A_86] : memref<10112x128xf32, #tpu.memory_space<vmem_shared>> -> memref<10112x128xf32, #tpu.memory_space<vmem_shared>>
        tpu.wait_indirect_dma semaphore(%arg22 : memref<!tpu.dma_semaphore, #tpu.memory_space<semaphore_mem>>) src(%arg17 : memref<80x128xf32, #tpu.memory_space<vmem>>) dst(%dma_wait3A_87 : memref<10112x128xf32, #tpu.memory_space<vmem_shared>>)
        %dma_wait3A_88 = arith.constant 0 : i32
        %dma_wait3A_89 = arith.constant 0 : i32
        %dma_wait3A_90 = tpu.memref_slice %arg10[%dma_wait3A_88, %dma_wait3A_89] : memref<10112x128xf32, #tpu.memory_space<vmem_shared>> -> memref<10112x128xf32, #tpu.memory_space<vmem_shared>>
        tpu.wait_indirect_dma semaphore(%arg23 : memref<!tpu.dma_semaphore, #tpu.memory_space<semaphore_mem>>) src(%arg18 : memref<80x128xf32, #tpu.memory_space<vmem>>) dst(%dma_wait3A_90 : memref<10112x128xf32, #tpu.memory_space<vmem_shared>>)
      } else {
      }
      %dma_start3A = arith.constant 0 : i32
      %dma_start3A_52 = arith.constant 0 : i32
      %dma_start3A_53 = tpu.memref_slice %arg2[%dma_start3A, %dma_start3A_52] : memref<20000x128xf32, #tpu.memory_space<hbm>> -> memref<20000x128xf32, #tpu.memory_space<hbm>>
      tpu.enqueue_indirect_dma source(%dma_start3A_53 : memref<20000x128xf32, #tpu.memory_space<hbm>>) target(%arg17 : memref<80x128xf32, #tpu.memory_space<vmem>>) offsets(%arg12 : memref<80xi32, #tpu.memory_space<vmem>>) semaphore(%arg20 : memref<!tpu.dma_semaphore, #tpu.memory_space<semaphore_mem>>)
      %dma_start3A_54 = arith.constant 0 : i32
      %dma_start3A_55 = arith.constant 0 : i32
      %dma_start3A_56 = tpu.memref_slice %arg3[%dma_start3A_54, %dma_start3A_55] : memref<20000x128xf32, #tpu.memory_space<hbm>> -> memref<20000x128xf32, #tpu.memory_space<hbm>>
      tpu.enqueue_indirect_dma source(%dma_start3A_56 : memref<20000x128xf32, #tpu.memory_space<hbm>>) target(%arg18 : memref<80x128xf32, #tpu.memory_space<vmem>>) offsets(%arg12 : memref<80xi32, #tpu.memory_space<vmem>>) semaphore(%arg21 : memref<!tpu.dma_semaphore, #tpu.memory_space<semaphore_mem>>)
      "tpu.region"() ({
        %run_scoped3A = tpu.sem_alloc : memref<!tpu.dma_semaphore, #tpu.memory_space<semaphore_mem>>
        %dma_start3A_85 = arith.constant 0 : i32
        %dma_start3A_86 = tpu.memref_slice %arg5[%arg1, %scan3A_46, %dma_start3A_85] : memref<16x125x80xi32, #tpu.memory_space<hbm>> -> memref<1x1x80xi32, #tpu.memory_space<hbm>>
        %dma_start3A_87 = tpu.memref_squeeze %dma_start3A_86 : memref<1x1x80xi32, #tpu.memory_space<hbm>> -> memref<80xi32, #tpu.memory_space<hbm>>
        %dma_start3A_88 = arith.constant 0 : i32
        %dma_start3A_89 = tpu.memref_slice %arg5[%arg1, %scan3A_46, %dma_start3A_88] : memref<16x125x80xi32, #tpu.memory_space<hbm>> -> memref<1x1x80xi32, #tpu.memory_space<hbm>>
        %dma_start3A_90 = tpu.memref_squeeze %dma_start3A_89 : memref<1x1x80xi32, #tpu.memory_space<hbm>> -> memref<80xi32, #tpu.memory_space<hbm>>
        tpu.enqueue_dma source(%dma_start3A_90 : memref<80xi32, #tpu.memory_space<hbm>>) target(%arg13 : memref<80xi32, #tpu.memory_space<vmem>>) target_semaphore(%run_scoped3A : memref<!tpu.dma_semaphore, #tpu.memory_space<semaphore_mem>>)
        %dma_wait3A_91 = arith.constant 0 : i32
        %dma_wait3A_92 = tpu.memref_slice %arg5[%arg1, %scan3A_46, %dma_wait3A_91] : memref<16x125x80xi32, #tpu.memory_space<hbm>> -> memref<1x1x80xi32, #tpu.memory_space<hbm>>
        %dma_wait3A_93 = tpu.memref_squeeze %dma_wait3A_92 : memref<1x1x80xi32, #tpu.memory_space<hbm>> -> memref<80xi32, #tpu.memory_space<hbm>>
        %dma_wait3A_94 = arith.constant 0 : i32
        %dma_wait3A_95 = tpu.memref_slice %arg5[%arg1, %scan3A_46, %dma_wait3A_94] : memref<16x125x80xi32, #tpu.memory_space<hbm>> -> memref<1x1x80xi32, #tpu.memory_space<hbm>>
        %dma_wait3A_96 = tpu.memref_squeeze %dma_wait3A_95 : memref<1x1x80xi32, #tpu.memory_space<hbm>> -> memref<80xi32, #tpu.memory_space<hbm>>
        tpu.wait_dma2 semaphore(%run_scoped3A : memref<!tpu.dma_semaphore, #tpu.memory_space<semaphore_mem>>) src(%dma_wait3A_96 : memref<80xi32, #tpu.memory_space<hbm>>) dst(%arg13 : memref<80xi32, #tpu.memory_space<vmem>>)
        tpu.yield
      }) : () -> ()
      %rem3A = arith.constant 2 : i32
      %rem3A_57 = arith.remsi %scan3A_46, %rem3A : i32
      %eq3A_58 = arith.cmpi eq, %rem3A_57, %arg0 : i32
      %convert_element_type3A_59 = arith.extui %eq3A_58 : i1 to i32
      %cond3A_60 = arith.constant 0 : i32
      %cond3A_61 = arith.cmpi ne, %convert_element_type3A_59, %cond3A_60 : i32
      scf.if %cond3A_61 {
        %ge3A = arith.constant 2 : i32
        %ge3A_85 = arith.cmpi sge, %scan3A_46, %ge3A : i32
        %convert_element_type3A_86 = arith.extui %ge3A_85 : i1 to i32
        %cond3A_87 = arith.constant 0 : i32
        %cond3A_88 = arith.cmpi ne, %convert_element_type3A_86, %cond3A_87 : i32
        scf.if %cond3A_88 {
          %dma_wait3A_173 = arith.constant 0 : i32
          %dma_wait3A_174 = arith.constant 0 : i32
          %dma_wait3A_175 = tpu.memref_slice %arg11[%dma_wait3A_173, %dma_wait3A_174] : memref<79x128xf32, #tpu.memory_space<vmem_shared>> -> memref<79x128xf32, #tpu.memory_space<vmem_shared>>
          tpu.wait_indirect_dma semaphore(%arg25 : memref<!tpu.dma_semaphore, #tpu.memory_space<semaphore_mem>>) src(%arg19 : memref<80x128xf32, #tpu.memory_space<vmem>>) dst(%dma_wait3A_175 : memref<79x128xf32, #tpu.memory_space<vmem_shared>>)
        } else {
        }
        %get3A = arith.constant 0 : index
        %get3A_89 = tpu.vector_load %arg13[%get3A] {strides = array<i32>} : memref<80xi32, #tpu.memory_space<vmem>>, vector<16xi32>,
        %get3A_90 = vector.shape_cast %get3A_89 : vector<16xi32> to vector<16xi32>
        %shift_right_arithmetic3A = arith.constant 7 : i32
        %shift_right_arithmetic3A_91 = vector.broadcast %shift_right_arithmetic3A : i32 to vector<16xi32>
        %shift_right_arithmetic3A_92 = arith.shrsi %get3A_90, %shift_right_arithmetic3A_91 : vector<16xi32>
        %swap3A = arith.constant 0 : index
        %swap3A_93 = tpu.vector_load %arg14[%swap3A] {strides = array<i32>} : memref<80xi32, #tpu.memory_space<vmem>>, vector<16xi32>,
        %swap3A_94 = vector.shape_cast %swap3A_93 : vector<16xi32> to vector<16xi32>
        %swap3A_95 = vector.shape_cast %shift_right_arithmetic3A_92 : vector<16xi32> to vector<16xi32>
        tpu.vector_store %arg14[%swap3A], %swap3A_95 {strides = array<i32>} : memref<80xi32, #tpu.memory_space<vmem>>, vector<16xi32>,
        %and3A = arith.constant 127 : i32
        %and3A_96 = vector.broadcast %and3A : i32 to vector<16xi32>
        %and3A_97 = arith.andi %get3A_90, %and3A_96 : vector<16xi32>
        %swap3A_98 = arith.constant 0 : index
        %swap3A_99 = tpu.vector_load %arg15[%swap3A_98] {strides = array<i32>} : memref<80xi32, #tpu.memory_space<vmem>>, vector<16xi32>,
        %swap3A_100 = vector.shape_cast %swap3A_99 : vector<16xi32> to vector<16xi32>
        %swap3A_101 = vector.shape_cast %and3A_97 : vector<16xi32> to vector<16xi32>
        tpu.vector_store %arg15[%swap3A_98], %swap3A_101 {strides = array<i32>} : memref<80xi32, #tpu.memory_space<vmem>>, vector<16xi32>,
        %get3A_102 = arith.constant 16 : index
        %get3A_103 = tpu.vector_load %arg13[%get3A_102] {strides = array<i32>} : memref<80xi32, #tpu.memory_space<vmem>>, vector<16xi32>,
        %get3A_104 = vector.shape_cast %get3A_103 : vector<16xi32> to vector<16xi32>
        %shift_right_arithmetic3A_105 = arith.constant 7 : i32
        %shift_right_arithmetic3A_106 = vector.broadcast %shift_right_arithmetic3A_105 : i32 to vector<16xi32>
        %shift_right_arithmetic3A_107 = arith.shrsi %get3A_104, %shift_right_arithmetic3A_106 : vector<16xi32>
        %swap3A_108 = arith.constant 16 : index
        %swap3A_109 = tpu.vector_load %arg14[%swap3A_108] {strides = array<i32>} : memref<80xi32, #tpu.memory_space<vmem>>, vector<16xi32>,
        %swap3A_110 = vector.shape_cast %swap3A_109 : vector<16xi32> to vector<16xi32>
        %swap3A_111 = vector.shape_cast %shift_right_arithmetic3A_107 : vector<16xi32> to vector<16xi32>
        tpu.vector_store %arg14[%swap3A_108], %swap3A_111 {strides = array<i32>} : memref<80xi32, #tpu.memory_space<vmem>>, vector<16xi32>,
        %and3A_112 = arith.constant 127 : i32
        %and3A_113 = vector.broadcast %and3A_112 : i32 to vector<16xi32>
        %and3A_114 = arith.andi %get3A_104, %and3A_113 : vector<16xi32>
        %swap3A_115 = arith.constant 16 : index
        %swap3A_116 = tpu.vector_load %arg15[%swap3A_115] {strides = array<i32>} : memref<80xi32, #tpu.memory_space<vmem>>, vector<16xi32>,
        %swap3A_117 = vector.shape_cast %swap3A_116 : vector<16xi32> to vector<16xi32>
        %swap3A_118 = vector.shape_cast %and3A_114 : vector<16xi32> to vector<16xi32>
        tpu.vector_store %arg15[%swap3A_115], %swap3A_118 {strides = array<i32>} : memref<80xi32, #tpu.memory_space<vmem>>, vector<16xi32>,
        %get3A_119 = arith.constant 32 : index
        %get3A_120 = tpu.vector_load %arg13[%get3A_119] {strides = array<i32>} : memref<80xi32, #tpu.memory_space<vmem>>, vector<16xi32>,
        %get3A_121 = vector.shape_cast %get3A_120 : vector<16xi32> to vector<16xi32>
        %shift_right_arithmetic3A_122 = arith.constant 7 : i32
        %shift_right_arithmetic3A_123 = vector.broadcast %shift_right_arithmetic3A_122 : i32 to vector<16xi32>
        %shift_right_arithmetic3A_124 = arith.shrsi %get3A_121, %shift_right_arithmetic3A_123 : vector<16xi32>
        %swap3A_125 = arith.constant 32 : index
        %swap3A_126 = tpu.vector_load %arg14[%swap3A_125] {strides = array<i32>} : memref<80xi32, #tpu.memory_space<vmem>>, vector<16xi32>,
        %swap3A_127 = vector.shape_cast %swap3A_126 : vector<16xi32> to vector<16xi32>
        %swap3A_128 = vector.shape_cast %shift_right_arithmetic3A_124 : vector<16xi32> to vector<16xi32>
        tpu.vector_store %arg14[%swap3A_125], %swap3A_128 {strides = array<i32>} : memref<80xi32, #tpu.memory_space<vmem>>, vector<16xi32>,
        %and3A_129 = arith.constant 127 : i32
        %and3A_130 = vector.broadcast %and3A_129 : i32 to vector<16xi32>
        %and3A_131 = arith.andi %get3A_121, %and3A_130 : vector<16xi32>
        %swap3A_132 = arith.constant 32 : index
        %swap3A_133 = tpu.vector_load %arg15[%swap3A_132] {strides = array<i32>} : memref<80xi32, #tpu.memory_space<vmem>>, vector<16xi32>,
        %swap3A_134 = vector.shape_cast %swap3A_133 : vector<16xi32> to vector<16xi32>
        %swap3A_135 = vector.shape_cast %and3A_131 : vector<16xi32> to vector<16xi32>
        tpu.vector_store %arg15[%swap3A_132], %swap3A_135 {strides = array<i32>} : memref<80xi32, #tpu.memory_space<vmem>>, vector<16xi32>,
        %get3A_136 = arith.constant 48 : index
        %get3A_137 = tpu.vector_load %arg13[%get3A_136] {strides = array<i32>} : memref<80xi32, #tpu.memory_space<vmem>>, vector<16xi32>,
        %get3A_138 = vector.shape_cast %get3A_137 : vector<16xi32> to vector<16xi32>
        %shift_right_arithmetic3A_139 = arith.constant 7 : i32
        %shift_right_arithmetic3A_140 = vector.broadcast %shift_right_arithmetic3A_139 : i32 to vector<16xi32>
        %shift_right_arithmetic3A_141 = arith.shrsi %get3A_138, %shift_right_arithmetic3A_140 : vector<16xi32>
        %swap3A_142 = arith.constant 48 : index
        %swap3A_143 = tpu.vector_load %arg14[%swap3A_142] {strides = array<i32>} : memref<80xi32, #tpu.memory_space<vmem>>, vector<16xi32>,
        %swap3A_144 = vector.shape_cast %swap3A_143 : vector<16xi32> to vector<16xi32>
        %swap3A_145 = vector.shape_cast %shift_right_arithmetic3A_141 : vector<16xi32> to vector<16xi32>
        tpu.vector_store %arg14[%swap3A_142], %swap3A_145 {strides = array<i32>} : memref<80xi32, #tpu.memory_space<vmem>>, vector<16xi32>,
        %and3A_146 = arith.constant 127 : i32
        %and3A_147 = vector.broadcast %and3A_146 : i32 to vector<16xi32>
        %and3A_148 = arith.andi %get3A_138, %and3A_147 : vector<16xi32>
        %swap3A_149 = arith.constant 48 : index
        %swap3A_150 = tpu.vector_load %arg15[%swap3A_149] {strides = array<i32>} : memref<80xi32, #tpu.memory_space<vmem>>, vector<16xi32>,
        %swap3A_151 = vector.shape_cast %swap3A_150 : vector<16xi32> to vector<16xi32>
        %swap3A_152 = vector.shape_cast %and3A_148 : vector<16xi32> to vector<16xi32>
        tpu.vector_store %arg15[%swap3A_149], %swap3A_152 {strides = array<i32>} : memref<80xi32, #tpu.memory_space<vmem>>, vector<16xi32>,
        %get3A_153 = arith.constant 64 : index
        %get3A_154 = tpu.vector_load %arg13[%get3A_153] {strides = array<i32>} : memref<80xi32, #tpu.memory_space<vmem>>, vector<16xi32>,
        %get3A_155 = vector.shape_cast %get3A_154 : vector<16xi32> to vector<16xi32>
        %shift_right_arithmetic3A_156 = arith.constant 7 : i32
        %shift_right_arithmetic3A_157 = vector.broadcast %shift_right_arithmetic3A_156 : i32 to vector<16xi32>
        %shift_right_arithmetic3A_158 = arith.shrsi %get3A_155, %shift_right_arithmetic3A_157 : vector<16xi32>
        %swap3A_159 = arith.constant 64 : index
        %swap3A_160 = tpu.vector_load %arg14[%swap3A_159] {strides = array<i32>} : memref<80xi32, #tpu.memory_space<vmem>>, vector<16xi32>,
        %swap3A_161 = vector.shape_cast %swap3A_160 : vector<16xi32> to vector<16xi32>
        %swap3A_162 = vector.shape_cast %shift_right_arithmetic3A_158 : vector<16xi32> to vector<16xi32>
        tpu.vector_store %arg14[%swap3A_159], %swap3A_162 {strides = array<i32>} : memref<80xi32, #tpu.memory_space<vmem>>, vector<16xi32>,
        %and3A_163 = arith.constant 127 : i32
        %and3A_164 = vector.broadcast %and3A_163 : i32 to vector<16xi32>
        %and3A_165 = arith.andi %get3A_155, %and3A_164 : vector<16xi32>
        %swap3A_166 = arith.constant 64 : index
        %swap3A_167 = tpu.vector_load %arg15[%swap3A_166] {strides = array<i32>} : memref<80xi32, #tpu.memory_space<vmem>>, vector<16xi32>,
        %swap3A_168 = vector.shape_cast %swap3A_167 : vector<16xi32> to vector<16xi32>
        %swap3A_169 = vector.shape_cast %and3A_165 : vector<16xi32> to vector<16xi32>
        tpu.vector_store %arg15[%swap3A_166], %swap3A_169 {strides = array<i32>} : memref<80xi32, #tpu.memory_space<vmem>>, vector<16xi32>,
        %dma_start3A_170 = arith.constant 0 : i32
        %dma_start3A_171 = arith.constant 0 : i32
        %dma_start3A_172 = tpu.memref_slice %arg7[%dma_start3A_170, %dma_start3A_171] : memref<128x128xf32, #tpu.memory_space<hbm>> -> memref<128x128xf32, #tpu.memory_space<hbm>>
        tpu.enqueue_indirect_dma source(%dma_start3A_172 : memref<128x128xf32, #tpu.memory_space<hbm>>) target(%arg19 : memref<80x128xf32, #tpu.memory_space<vmem>>) offsets(%arg15 : memref<80xi32, #tpu.memory_space<vmem>>) semaphore(%arg24 : memref<!tpu.dma_semaphore, #tpu.memory_space<semaphore_mem>>)
      } else {
      }
      "tpu.region"() ({
        %run_scoped3A = tpu.sem_alloc : memref<!tpu.dma_semaphore, #tpu.memory_space<semaphore_mem>>
        %dma_start3A_85 = arith.constant 0 : i32
        %dma_start3A_86 = arith.constant 0 : i32
        %dma_start3A_87 = tpu.memref_slice %arg6[%arg1, %scan3A_46, %dma_start3A_85, %dma_start3A_86] : memref<16x125x80x16xf32, #tpu.memory_space<hbm>> -> memref<1x1x80x16xf32, #tpu.memory_space<hbm>>
        %dma_start3A_88 = tpu.memref_squeeze %dma_start3A_87 : memref<1x1x80x16xf32, #tpu.memory_space<hbm>> -> memref<80x16xf32, #tpu.memory_space<hbm>>
        %dma_start3A_89 = arith.constant 0 : i32
        %dma_start3A_90 = arith.constant 0 : i32
        %dma_start3A_91 = tpu.memref_slice %arg6[%arg1, %scan3A_46, %dma_start3A_89, %dma_start3A_90] : memref<16x125x80x16xf32, #tpu.memory_space<hbm>> -> memref<1x1x80x16xf32, #tpu.memory_space<hbm>>
        %dma_start3A_92 = tpu.memref_squeeze %dma_start3A_91 : memref<1x1x80x16xf32, #tpu.memory_space<hbm>> -> memref<80x16xf32, #tpu.memory_space<hbm>>
        tpu.enqueue_dma source(%dma_start3A_92 : memref<80x16xf32, #tpu.memory_space<hbm>>) target(%arg16 : memref<80x16xf32, #tpu.memory_space<vmem>>) target_semaphore(%run_scoped3A : memref<!tpu.dma_semaphore, #tpu.memory_space<semaphore_mem>>)
        %dma_wait3A_93 = arith.constant 0 : i32
        %dma_wait3A_94 = arith.constant 0 : i32
        %dma_wait3A_95 = tpu.memref_slice %arg6[%arg1, %scan3A_46, %dma_wait3A_93, %dma_wait3A_94] : memref<16x125x80x16xf32, #tpu.memory_space<hbm>> -> memref<1x1x80x16xf32, #tpu.memory_space<hbm>>
        %dma_wait3A_96 = tpu.memref_squeeze %dma_wait3A_95 : memref<1x1x80x16xf32, #tpu.memory_space<hbm>> -> memref<80x16xf32, #tpu.memory_space<hbm>>
        %dma_wait3A_97 = arith.constant 0 : i32
        %dma_wait3A_98 = arith.constant 0 : i32
        %dma_wait3A_99 = tpu.memref_slice %arg6[%arg1, %scan3A_46, %dma_wait3A_97, %dma_wait3A_98] : memref<16x125x80x16xf32, #tpu.memory_space<hbm>> -> memref<1x1x80x16xf32, #tpu.memory_space<hbm>>
        %dma_wait3A_100 = tpu.memref_squeeze %dma_wait3A_99 : memref<1x1x80x16xf32, #tpu.memory_space<hbm>> -> memref<80x16xf32, #tpu.memory_space<hbm>>
        tpu.wait_dma2 semaphore(%run_scoped3A : memref<!tpu.dma_semaphore, #tpu.memory_space<semaphore_mem>>) src(%dma_wait3A_100 : memref<80x16xf32, #tpu.memory_space<hbm>>) dst(%arg16 : memref<80x16xf32, #tpu.memory_space<vmem>>)
        tpu.yield
      }) : () -> ()
      %dma_wait3A_62 = arith.constant 0 : i32
      %dma_wait3A_63 = arith.constant 0 : i32
      %dma_wait3A_64 = tpu.memref_slice %arg2[%dma_wait3A_62, %dma_wait3A_63] : memref<20000x128xf32, #tpu.memory_space<hbm>> -> memref<20000x128xf32, #tpu.memory_space<hbm>>
      tpu.wait_indirect_dma semaphore(%arg20 : memref<!tpu.dma_semaphore, #tpu.memory_space<semaphore_mem>>) src(%dma_wait3A_64 : memref<20000x128xf32, #tpu.memory_space<hbm>>) dst(%arg17 : memref<80x128xf32, #tpu.memory_space<vmem>>)
      %dma_start3A_65 = arith.constant 0 : i32
      %dma_start3A_66 = arith.constant 0 : i32
      %dma_start3A_67 = tpu.memref_slice %arg10[%dma_start3A_65, %dma_start3A_66] : memref<10112x128xf32, #tpu.memory_space<vmem_shared>> -> memref<10112x128xf32, #tpu.memory_space<vmem_shared>>
      tpu.enqueue_indirect_dma source(%arg17 : memref<80x128xf32, #tpu.memory_space<vmem>>) target(%dma_start3A_67 : memref<10112x128xf32, #tpu.memory_space<vmem_shared>>) offsets(%arg13 : memref<80xi32, #tpu.memory_space<vmem>>) semaphore(%arg22 : memref<!tpu.dma_semaphore, #tpu.memory_space<semaphore_mem>>) {add = true}
      %dma_wait3A_68 = arith.constant 0 : i32
      %dma_wait3A_69 = arith.constant 0 : i32
      %dma_wait3A_70 = tpu.memref_slice %arg3[%dma_wait3A_68, %dma_wait3A_69] : memref<20000x128xf32, #tpu.memory_space<hbm>> -> memref<20000x128xf32, #tpu.memory_space<hbm>>
      tpu.wait_indirect_dma semaphore(%arg21 : memref<!tpu.dma_semaphore, #tpu.memory_space<semaphore_mem>>) src(%dma_wait3A_70 : memref<20000x128xf32, #tpu.memory_space<hbm>>) dst(%arg18 : memref<80x128xf32, #tpu.memory_space<vmem>>)
      %scan3A_71 = arith.constant 0 : i32
      %scan3A_72 = arith.constant 0 : i32
      %scan3A_73 = arith.constant 80 : i32
      %scan3A_74 = arith.addi %scan3A_72, %scan3A_73 : i32
      %scan3A_75 = arith.constant 1 : i32
      %scan3A_76 = scf.for %scan3A_85 = %scan3A_72 to %scan3A_74 step %scan3A_75 iter_args(%scan3A_86 = %scan3A_71) -> (i32)  : i32 {
        %get3A = arith.index_cast %scan3A_85 : i32 to index
        %get3A_87 = arith.constant 0 : index
        %get3A_88 = tpu.vector_load %arg16[%get3A, %get3A_87] {strides = array<i32>} : memref<80x16xf32, #tpu.memory_space<vmem>>, vector<1x16xf32>,
        %get3A_89 = vector.shape_cast %get3A_88 : vector<1x16xf32> to vector<16xf32>
        %get3A_90 = arith.index_cast %scan3A_85 : i32 to index
        %get3A_91 = arith.constant 0 : index
        %get3A_92 = tpu.vector_load %arg18[%get3A_90, %get3A_91] {strides = array<i32>} : memref<80x128xf32, #tpu.memory_space<vmem>>, vector<1x16xf32>,
        %get3A_93 = vector.shape_cast %get3A_92 : vector<1x16xf32> to vector<16xf32>
        %mul3A_94 = arith.mulf %get3A_89, %get3A_93 : vector<16xf32>
        %swap3A = arith.index_cast %scan3A_85 : i32 to index
        %swap3A_95 = arith.constant 0 : index
        %swap3A_96 = tpu.vector_load %arg18[%swap3A, %swap3A_95] {strides = array<i32>} : memref<80x128xf32, #tpu.memory_space<vmem>>, vector<1x16xf32>,
        %swap3A_97 = vector.shape_cast %swap3A_96 : vector<1x16xf32> to vector<16xf32>
        %swap3A_98 = vector.shape_cast %mul3A_94 : vector<16xf32> to vector<1x16xf32>
        tpu.vector_store %arg18[%swap3A, %swap3A_95], %swap3A_98 {strides = array<i32>} : memref<80x128xf32, #tpu.memory_space<vmem>>, vector<1x16xf32>,
        %get3A_99 = arith.index_cast %scan3A_85 : i32 to index
        %get3A_100 = arith.constant 16 : index
        %get3A_101 = tpu.vector_load %arg18[%get3A_99, %get3A_100] {strides = array<i32>} : memref<80x128xf32, #tpu.memory_space<vmem>>, vector<1x16xf32>,
        %get3A_102 = vector.shape_cast %get3A_101 : vector<1x16xf32> to vector<16xf32>
        %mul3A_103 = arith.mulf %get3A_89, %get3A_102 : vector<16xf32>
        %swap3A_104 = arith.index_cast %scan3A_85 : i32 to index
        %swap3A_105 = arith.constant 16 : index
        %swap3A_106 = tpu.vector_load %arg18[%swap3A_104, %swap3A_105] {strides = array<i32>} : memref<80x128xf32, #tpu.memory_space<vmem>>, vector<1x16xf32>,
        %swap3A_107 = vector.shape_cast %swap3A_106 : vector<1x16xf32> to vector<16xf32>
        %swap3A_108 = vector.shape_cast %mul3A_103 : vector<16xf32> to vector<1x16xf32>
        tpu.vector_store %arg18[%swap3A_104, %swap3A_105], %swap3A_108 {strides = array<i32>} : memref<80x128xf32, #tpu.memory_space<vmem>>, vector<1x16xf32>,
        %get3A_109 = arith.index_cast %scan3A_85 : i32 to index
        %get3A_110 = arith.constant 32 : index
        %get3A_111 = tpu.vector_load %arg18[%get3A_109, %get3A_110] {strides = array<i32>} : memref<80x128xf32, #tpu.memory_space<vmem>>, vector<1x16xf32>,
        %get3A_112 = vector.shape_cast %get3A_111 : vector<1x16xf32> to vector<16xf32>
        %mul3A_113 = arith.mulf %get3A_89, %get3A_112 : vector<16xf32>
        %swap3A_114 = arith.index_cast %scan3A_85 : i32 to index
        %swap3A_115 = arith.constant 32 : index
        %swap3A_116 = tpu.vector_load %arg18[%swap3A_114, %swap3A_115] {strides = array<i32>} : memref<80x128xf32, #tpu.memory_space<vmem>>, vector<1x16xf32>,
        %swap3A_117 = vector.shape_cast %swap3A_116 : vector<1x16xf32> to vector<16xf32>
        %swap3A_118 = vector.shape_cast %mul3A_113 : vector<16xf32> to vector<1x16xf32>
        tpu.vector_store %arg18[%swap3A_114, %swap3A_115], %swap3A_118 {strides = array<i32>} : memref<80x128xf32, #tpu.memory_space<vmem>>, vector<1x16xf32>,
        %get3A_119 = arith.index_cast %scan3A_85 : i32 to index
        %get3A_120 = arith.constant 48 : index
        %get3A_121 = tpu.vector_load %arg18[%get3A_119, %get3A_120] {strides = array<i32>} : memref<80x128xf32, #tpu.memory_space<vmem>>, vector<1x16xf32>,
        %get3A_122 = vector.shape_cast %get3A_121 : vector<1x16xf32> to vector<16xf32>
        %mul3A_123 = arith.mulf %get3A_89, %get3A_122 : vector<16xf32>
        %swap3A_124 = arith.index_cast %scan3A_85 : i32 to index
        %swap3A_125 = arith.constant 48 : index
        %swap3A_126 = tpu.vector_load %arg18[%swap3A_124, %swap3A_125] {strides = array<i32>} : memref<80x128xf32, #tpu.memory_space<vmem>>, vector<1x16xf32>,
        %swap3A_127 = vector.shape_cast %swap3A_126 : vector<1x16xf32> to vector<16xf32>
        %swap3A_128 = vector.shape_cast %mul3A_123 : vector<16xf32> to vector<1x16xf32>
        tpu.vector_store %arg18[%swap3A_124, %swap3A_125], %swap3A_128 {strides = array<i32>} : memref<80x128xf32, #tpu.memory_space<vmem>>, vector<1x16xf32>,
        %get3A_129 = arith.index_cast %scan3A_85 : i32 to index
        %get3A_130 = arith.constant 64 : index
        %get3A_131 = tpu.vector_load %arg18[%get3A_129, %get3A_130] {strides = array<i32>} : memref<80x128xf32, #tpu.memory_space<vmem>>, vector<1x16xf32>,
        %get3A_132 = vector.shape_cast %get3A_131 : vector<1x16xf32> to vector<16xf32>
        %mul3A_133 = arith.mulf %get3A_89, %get3A_132 : vector<16xf32>
        %swap3A_134 = arith.index_cast %scan3A_85 : i32 to index
        %swap3A_135 = arith.constant 64 : index
        %swap3A_136 = tpu.vector_load %arg18[%swap3A_134, %swap3A_135] {strides = array<i32>} : memref<80x128xf32, #tpu.memory_space<vmem>>, vector<1x16xf32>,
        %swap3A_137 = vector.shape_cast %swap3A_136 : vector<1x16xf32> to vector<16xf32>
        %swap3A_138 = vector.shape_cast %mul3A_133 : vector<16xf32> to vector<1x16xf32>
        tpu.vector_store %arg18[%swap3A_134, %swap3A_135], %swap3A_138 {strides = array<i32>} : memref<80x128xf32, #tpu.memory_space<vmem>>, vector<1x16xf32>,
        %get3A_139 = arith.index_cast %scan3A_85 : i32 to index
        %get3A_140 = arith.constant 80 : index
        %get3A_141 = tpu.vector_load %arg18[%get3A_139, %get3A_140] {strides = array<i32>} : memref<80x128xf32, #tpu.memory_space<vmem>>, vector<1x16xf32>,
        %get3A_142 = vector.shape_cast %get3A_141 : vector<1x16xf32> to vector<16xf32>
        %mul3A_143 = arith.mulf %get3A_89, %get3A_142 : vector<16xf32>
        %swap3A_144 = arith.index_cast %scan3A_85 : i32 to index
        %swap3A_145 = arith.constant 80 : index
        %swap3A_146 = tpu.vector_load %arg18[%swap3A_144, %swap3A_145] {strides = array<i32>} : memref<80x128xf32, #tpu.memory_space<vmem>>, vector<1x16xf32>,
        %swap3A_147 = vector.shape_cast %swap3A_146 : vector<1x16xf32> to vector<16xf32>
        %swap3A_148 = vector.shape_cast %mul3A_143 : vector<16xf32> to vector<1x16xf32>
        tpu.vector_store %arg18[%swap3A_144, %swap3A_145], %swap3A_148 {strides = array<i32>} : memref<80x128xf32, #tpu.memory_space<vmem>>, vector<1x16xf32>,
        %get3A_149 = arith.index_cast %scan3A_85 : i32 to index
        %get3A_150 = arith.constant 96 : index
        %get3A_151 = tpu.vector_load %arg18[%get3A_149, %get3A_150] {strides = array<i32>} : memref<80x128xf32, #tpu.memory_space<vmem>>, vector<1x16xf32>,
        %get3A_152 = vector.shape_cast %get3A_151 : vector<1x16xf32> to vector<16xf32>
        %mul3A_153 = arith.mulf %get3A_89, %get3A_152 : vector<16xf32>
        %swap3A_154 = arith.index_cast %scan3A_85 : i32 to index
        %swap3A_155 = arith.constant 96 : index
        %swap3A_156 = tpu.vector_load %arg18[%swap3A_154, %swap3A_155] {strides = array<i32>} : memref<80x128xf32, #tpu.memory_space<vmem>>, vector<1x16xf32>,
        %swap3A_157 = vector.shape_cast %swap3A_156 : vector<1x16xf32> to vector<16xf32>
        %swap3A_158 = vector.shape_cast %mul3A_153 : vector<16xf32> to vector<1x16xf32>
        tpu.vector_store %arg18[%swap3A_154, %swap3A_155], %swap3A_158 {strides = array<i32>} : memref<80x128xf32, #tpu.memory_space<vmem>>, vector<1x16xf32>,
        %get3A_159 = arith.index_cast %scan3A_85 : i32 to index
        %get3A_160 = arith.constant 112 : index
        %get3A_161 = tpu.vector_load %arg18[%get3A_159, %get3A_160] {strides = array<i32>} : memref<80x128xf32, #tpu.memory_space<vmem>>, vector<1x16xf32>,
        %get3A_162 = vector.shape_cast %get3A_161 : vector<1x16xf32> to vector<16xf32>
        %mul3A_163 = arith.mulf %get3A_89, %get3A_162 : vector<16xf32>
        %swap3A_164 = arith.index_cast %scan3A_85 : i32 to index
        %swap3A_165 = arith.constant 112 : index
        %swap3A_166 = tpu.vector_load %arg18[%swap3A_164, %swap3A_165] {strides = array<i32>} : memref<80x128xf32, #tpu.memory_space<vmem>>, vector<1x16xf32>,
        %swap3A_167 = vector.shape_cast %swap3A_166 : vector<1x16xf32> to vector<16xf32>
        %swap3A_168 = vector.shape_cast %mul3A_163 : vector<16xf32> to vector<1x16xf32>
        tpu.vector_store %arg18[%swap3A_164, %swap3A_165], %swap3A_168 {strides = array<i32>} : memref<80x128xf32, #tpu.memory_space<vmem>>, vector<1x16xf32>,
        %scan3A_169 = arith.constant 0 : i32
        scf.yield %scan3A_169 : i32
      }
      %scan3A_77 = arith.constant 80 : i32
      %dma_start3A_78 = arith.constant 0 : i32
      %dma_start3A_79 = arith.constant 0 : i32
      %dma_start3A_80 = tpu.memref_slice %arg10[%dma_start3A_78, %dma_start3A_79] : memref<10112x128xf32, #tpu.memory_space<vmem_shared>> -> memref<10112x128xf32, #tpu.memory_space<vmem_shared>>
      tpu.enqueue_indirect_dma source(%arg18 : memref<80x128xf32, #tpu.memory_space<vmem>>) target(%dma_start3A_80 : memref<10112x128xf32, #tpu.memory_space<vmem_shared>>) offsets(%arg13 : memref<80xi32, #tpu.memory_space<vmem>>) semaphore(%arg23 : memref<!tpu.dma_semaphore, #tpu.memory_space<semaphore_mem>>) {add = true}
      %convert_element_type3A_81 = arith.extui %eq3A_58 : i1 to i32
      %cond3A_82 = arith.constant 0 : i32
      %cond3A_83 = arith.cmpi ne, %convert_element_type3A_81, %cond3A_82 : i32
      scf.if %cond3A_83 {
        %dma_wait3A_85 = arith.constant 0 : i32
        %dma_wait3A_86 = arith.constant 0 : i32
        %dma_wait3A_87 = tpu.memref_slice %arg7[%dma_wait3A_85, %dma_wait3A_86] : memref<128x128xf32, #tpu.memory_space<hbm>> -> memref<128x128xf32, #tpu.memory_space<hbm>>
        tpu.wait_indirect_dma semaphore(%arg24 : memref<!tpu.dma_semaphore, #tpu.memory_space<semaphore_mem>>) src(%dma_wait3A_87 : memref<128x128xf32, #tpu.memory_space<hbm>>) dst(%arg19 : memref<80x128xf32, #tpu.memory_space<vmem>>)
        %dma_start3A_88 = arith.constant 0 : i32
        %dma_start3A_89 = arith.constant 0 : i32
        %dma_start3A_90 = tpu.memref_slice %arg11[%dma_start3A_88, %dma_start3A_89] : memref<79x128xf32, #tpu.memory_space<vmem_shared>> -> memref<79x128xf32, #tpu.memory_space<vmem_shared>>
        tpu.enqueue_indirect_dma source(%arg19 : memref<80x128xf32, #tpu.memory_space<vmem>>) target(%dma_start3A_90 : memref<79x128xf32, #tpu.memory_space<vmem_shared>>) offsets(%arg14 : memref<80xi32, #tpu.memory_space<vmem>>) semaphore(%arg25 : memref<!tpu.dma_semaphore, #tpu.memory_space<semaphore_mem>>) {add = true}
      } else {
      }
      %scan3A_84 = arith.constant 0 : i32
      scf.yield %scan3A_84 : i32
    }
    %scan3A_31 = arith.constant 125 : i32
    %dma_wait3A = arith.constant 0 : i32
    %dma_wait3A_32 = arith.constant 0 : i32
    %dma_wait3A_33 = tpu.memref_slice %arg10[%dma_wait3A, %dma_wait3A_32] : memref<10112x128xf32, #tpu.memory_space<vmem_shared>> -> memref<10112x128xf32, #tpu.memory_space<vmem_shared>>
    tpu.wait_indirect_dma semaphore(%arg22 : memref<!tpu.dma_semaphore, #tpu.memory_space<semaphore_mem>>) src(%arg17 : memref<80x128xf32, #tpu.memory_space<vmem>>) dst(%dma_wait3A_33 : memref<10112x128xf32, #tpu.memory_space<vmem_shared>>)
    %dma_wait3A_34 = arith.constant 0 : i32
    %dma_wait3A_35 = arith.constant 0 : i32
    %dma_wait3A_36 = tpu.memref_slice %arg10[%dma_wait3A_34, %dma_wait3A_35] : memref<10112x128xf32, #tpu.memory_space<vmem_shared>> -> memref<10112x128xf32, #tpu.memory_space<vmem_shared>>
    tpu.wait_indirect_dma semaphore(%arg23 : memref<!tpu.dma_semaphore, #tpu.memory_space<semaphore_mem>>) src(%arg18 : memref<80x128xf32, #tpu.memory_space<vmem>>) dst(%dma_wait3A_36 : memref<10112x128xf32, #tpu.memory_space<vmem_shared>>)
    %dma_wait3A_37 = arith.constant 0 : i32
    %dma_wait3A_38 = arith.constant 0 : i32
    %dma_wait3A_39 = tpu.memref_slice %arg11[%dma_wait3A_37, %dma_wait3A_38] : memref<79x128xf32, #tpu.memory_space<vmem_shared>> -> memref<79x128xf32, #tpu.memory_space<vmem_shared>>
    tpu.wait_indirect_dma semaphore(%arg25 : memref<!tpu.dma_semaphore, #tpu.memory_space<semaphore_mem>>) src(%arg19 : memref<80x128xf32, #tpu.memory_space<vmem>>) dst(%dma_wait3A_39 : memref<79x128xf32, #tpu.memory_space<vmem_shared>>)
    %barrier3A_40 = arith.constant 0 : index
    tpu.barrier barrier_id(%barrier3A_40)
    "tpu.region"() ({
      %run_scoped3A = tpu.sem_alloc : memref<!tpu.dma_semaphore, #tpu.memory_space<semaphore_mem>>
      %dma_start3A = arith.constant 0 : i32
      %dma_start3A_46 = tpu.memref_slice %arg8[%arg0, %mul3A_7, %dma_start3A] : memref<2x10112x128xf32, #tpu.memory_space<hbm>> -> memref<1x632x128xf32, #tpu.memory_space<hbm>>
      %dma_start3A_47 = tpu.memref_squeeze %dma_start3A_46 : memref<1x632x128xf32, #tpu.memory_space<hbm>> -> memref<632x128xf32, #tpu.memory_space<hbm>>
      %dma_start3A_48 = arith.constant 0 : i32
      %dma_start3A_49 = tpu.memref_slice %arg10[%mul3A_7, %dma_start3A_48] : memref<10112x128xf32, #tpu.memory_space<vmem_shared>> -> memref<632x128xf32, #tpu.memory_space<vmem_shared>>
      tpu.enqueue_dma source(%dma_start3A_49 : memref<632x128xf32, #tpu.memory_space<vmem_shared>>) target(%dma_start3A_47 : memref<632x128xf32, #tpu.memory_space<hbm>>) target_semaphore(%run_scoped3A : memref<!tpu.dma_semaphore, #tpu.memory_space<semaphore_mem>>)
      %dma_wait3A_50 = arith.constant 0 : i32
      %dma_wait3A_51 = tpu.memref_slice %arg8[%arg0, %mul3A_7, %dma_wait3A_50] : memref<2x10112x128xf32, #tpu.memory_space<hbm>> -> memref<1x632x128xf32, #tpu.memory_space<hbm>>
      %dma_wait3A_52 = tpu.memref_squeeze %dma_wait3A_51 : memref<1x632x128xf32, #tpu.memory_space<hbm>> -> memref<632x128xf32, #tpu.memory_space<hbm>>
      %dma_wait3A_53 = arith.constant 0 : i32
      %dma_wait3A_54 = tpu.memref_slice %arg10[%mul3A_7, %dma_wait3A_53] : memref<10112x128xf32, #tpu.memory_space<vmem_shared>> -> memref<632x128xf32, #tpu.memory_space<vmem_shared>>
      tpu.wait_dma2 semaphore(%run_scoped3A : memref<!tpu.dma_semaphore, #tpu.memory_space<semaphore_mem>>) src(%dma_wait3A_54 : memref<632x128xf32, #tpu.memory_space<vmem_shared>>) dst(%dma_wait3A_52 : memref<632x128xf32, #tpu.memory_space<hbm>>)
      tpu.yield
    }) : () -> ()
    %eq3A_41 = arith.constant 0 : i32
    %eq3A_42 = arith.cmpi eq, %arg1, %eq3A_41 : i32
    %convert_element_type3A_43 = arith.extui %eq3A_42 : i1 to i32
    %cond3A_44 = arith.constant 0 : i32
    %cond3A_45 = arith.cmpi ne, %convert_element_type3A_43, %cond3A_44 : i32
    scf.if %cond3A_45 {
      "tpu.region"() ({
        %run_scoped3A = tpu.sem_alloc : memref<!tpu.dma_semaphore, #tpu.memory_space<semaphore_mem>>
        %dma_start3A = arith.constant 0 : i32
        %dma_start3A_46 = arith.constant 0 : i32
        %dma_start3A_47 = tpu.memref_slice %arg9[%arg0, %dma_start3A, %dma_start3A_46] : memref<2x79x128xf32, #tpu.memory_space<hbm>> -> memref<1x79x128xf32, #tpu.memory_space<hbm>>
        %dma_start3A_48 = tpu.memref_squeeze %dma_start3A_47 : memref<1x79x128xf32, #tpu.memory_space<hbm>> -> memref<79x128xf32, #tpu.memory_space<hbm>>
        tpu.enqueue_dma source(%arg11 : memref<79x128xf32, #tpu.memory_space<vmem_shared>>) target(%dma_start3A_48 : memref<79x128xf32, #tpu.memory_space<hbm>>) target_semaphore(%run_scoped3A : memref<!tpu.dma_semaphore, #tpu.memory_space<semaphore_mem>>)
        %dma_wait3A_49 = arith.constant 0 : i32
        %dma_wait3A_50 = arith.constant 0 : i32
        %dma_wait3A_51 = tpu.memref_slice %arg9[%arg0, %dma_wait3A_49, %dma_wait3A_50] : memref<2x79x128xf32, #tpu.memory_space<hbm>> -> memref<1x79x128xf32, #tpu.memory_space<hbm>>
        %dma_wait3A_52 = tpu.memref_squeeze %dma_wait3A_51 : memref<1x79x128xf32, #tpu.memory_space<hbm>> -> memref<79x128xf32, #tpu.memory_space<hbm>>
        tpu.wait_dma2 semaphore(%run_scoped3A : memref<!tpu.dma_semaphore, #tpu.memory_space<semaphore_mem>>) src(%arg11 : memref<79x128xf32, #tpu.memory_space<vmem_shared>>) dst(%dma_wait3A_52 : memref<79x128xf32, #tpu.memory_space<hbm>>)
        tpu.yield
      }) : () -> ()
    } else {
    }
    return
  }
}

module attributes {stable_mosaic.version = 14 : i64} {
  func.func @_table_body(%arg0: i32, %arg1: memref<2000x256xf32, #tpu.memory_space<vmem>>, %arg2: memref<256x256xf32, #tpu.memory_space<vmem>>, %arg3: memref<2000x256xf32, #tpu.memory_space<vmem>>) attributes {dimension_semantics = [#tpu.dimension_semantics<arbitrary>], iteration_bounds = array<i64: 5>, scalar_prefetch = 0 : i64, scratch_operands = 0 : i64, tpu.core_type = #tpu.core_type<tc>, window_params = [{transform_indices = @transform_0, window_bounds = array<i64: 2000, 256>}, {pipeline_mode = #tpu.pipeline_mode<synchronous>, transform_indices = @transform_1, window_bounds = array<i64: 256, 256>}, {transform_indices = @transform_2, window_bounds = array<i64: 2000, 256>}]} {
    %get3A = arith.constant 0 : index
    %get3A_0 = arith.constant 0 : index
    %get3A_1 = vector.load %arg1[%get3A, %get3A_0] : memref<2000x256xf32, #tpu.memory_space<vmem>>, vector<2000x256xf32>
    %get3A_2 = arith.constant 0 : index
    %get3A_3 = arith.constant 0 : index
    %get3A_4 = vector.load %arg2[%get3A_2, %get3A_3] : memref<256x256xf32, #tpu.memory_space<vmem>>, vector<256x256xf32>
    %dot_general3A = arith.constant dense<0.000000e+00> : vector<2000x256xf32>
    %dot_general3A_5 = tpu.matmul %get3A_1, %get3A_4, %dot_general3A {dimension_numbers = #tpu.dot_dimension_numbers<[1], [0], [0], [1], [0, 0, 1, 1], [], []>, transpose_lhs_hint = false} : vector<2000x256xf32>, vector<256x256xf32>, vector<2000x256xf32> -> vector<2000x256xf32>
    %swap3A = arith.constant 0 : index
    %swap3A_6 = arith.constant 0 : index
    %swap3A_7 = vector.load %arg3[%swap3A, %swap3A_6] : memref<2000x256xf32, #tpu.memory_space<vmem>>, vector<2000x256xf32>
    tpu.vector_store %arg3[%swap3A, %swap3A_6], %dot_general3A_5 {strides = array<i32>} : memref<2000x256xf32, #tpu.memory_space<vmem>>, vector<2000x256xf32>,
    return
  }
  func.func @transform_0(%arg0: i32) -> (i32, i32) {
    %c0_i32 = arith.constant 0 : i32
    %c0_i32_0 = arith.constant 0 : i32
    return %arg0, %c0_i32 : i32, i32
  }
  func.func @transform_1(%arg0: i32) -> (i32, i32) {
    %c0_i32 = arith.constant 0 : i32
    %c0_i32_0 = arith.constant 0 : i32
    %c0_i32_1 = arith.constant 0 : i32
    return %c0_i32, %c0_i32_0 : i32, i32
  }
  func.func @transform_2(%arg0: i32) -> (i32, i32) {
    %c0_i32 = arith.constant 0 : i32
    %c0_i32_0 = arith.constant 0 : i32
    return %arg0, %c0_i32 : i32, i32
  }
}

module attributes {stable_mosaic.version = 14 : i64} {
  func.func @_combine_body(%arg0: i32, %arg1: memref<2x2000x128xf32, #tpu.memory_space<vmem>>, %arg2: memref<2x2000x1xf32, #tpu.memory_space<vmem>>, %arg3: memref<2000x256xf32, #tpu.memory_space<vmem>>, %arg4: memref<256x256xf32, #tpu.memory_space<vmem>>, %arg5: memref<1x256xf32, #tpu.memory_space<vmem>>, %arg6: memref<2000x256xf32, #tpu.memory_space<vmem>>) attributes {dimension_semantics = [#tpu.dimension_semantics<arbitrary>], iteration_bounds = array<i64: 5>, scalar_prefetch = 0 : i64, scratch_operands = 0 : i64, tpu.core_type = #tpu.core_type<tc>, window_params = [{transform_indices = @transform_0, window_bounds = array<i64: 2, 2000, 128>}, {transform_indices = @transform_1, window_bounds = array<i64: 2, 2000, 1>}, {transform_indices = @transform_2, window_bounds = array<i64: 2000, 256>}, {pipeline_mode = #tpu.pipeline_mode<synchronous>, transform_indices = @transform_3, window_bounds = array<i64: 256, 256>}, {pipeline_mode = #tpu.pipeline_mode<synchronous>, transform_indices = @transform_4, window_bounds = array<i64: 1, 256>}, {transform_indices = @transform_5, window_bounds = array<i64: 2000, 256>}]} {
    %get3A = arith.constant 0 : index
    %get3A_0 = arith.constant 0 : index
    %get3A_1 = arith.constant 0 : index
    %get3A_2 = vector.load %arg1[%get3A, %get3A_0, %get3A_1] : memref<2x2000x128xf32, #tpu.memory_space<vmem>>, vector<1x2000x128xf32>
    %get3A_3 = vector.shape_cast %get3A_2 : vector<1x2000x128xf32> to vector<2000x128xf32>
    %get3A_4 = arith.constant 1 : index
    %get3A_5 = arith.constant 0 : index
    %get3A_6 = arith.constant 0 : index
    %get3A_7 = vector.load %arg1[%get3A_4, %get3A_5, %get3A_6] : memref<2x2000x128xf32, #tpu.memory_space<vmem>>, vector<1x2000x128xf32>
    %get3A_8 = vector.shape_cast %get3A_7 : vector<1x2000x128xf32> to vector<2000x128xf32>
    %concatenate3A = tpu.concatenate %get3A_3, %get3A_8 in 1 : vector<2000x128xf32>, vector<2000x128xf32> -> vector<2000x256xf32>
    %get3A_9 = arith.constant 0 : index
    %get3A_10 = arith.constant 0 : index
    %get3A_11 = arith.constant 0 : index
    %get3A_12 = vector.load %arg2[%get3A_9, %get3A_10, %get3A_11] : memref<2x2000x1xf32, #tpu.memory_space<vmem>>, vector<1x2000x1xf32>
    %get3A_13 = vector.shape_cast %get3A_12 : vector<1x2000x1xf32> to vector<2000x1xf32>
    %get3A_14 = arith.constant 1 : index
    %get3A_15 = arith.constant 0 : index
    %get3A_16 = arith.constant 0 : index
    %get3A_17 = vector.load %arg2[%get3A_14, %get3A_15, %get3A_16] : memref<2x2000x1xf32, #tpu.memory_space<vmem>>, vector<1x2000x1xf32>
    %get3A_18 = vector.shape_cast %get3A_17 : vector<1x2000x1xf32> to vector<2000x1xf32>
    %add3A = arith.addf %get3A_13, %get3A_18 : vector<2000x1xf32>
    %get3A_19 = arith.constant 0 : index
    %get3A_20 = arith.constant 0 : index
    %get3A_21 = vector.load %arg3[%get3A_19, %get3A_20] : memref<2000x256xf32, #tpu.memory_space<vmem>>, vector<2000x256xf32>
    %get3A_22 = arith.constant 0 : index
    %get3A_23 = arith.constant 0 : index
    %get3A_24 = vector.load %arg4[%get3A_22, %get3A_23] : memref<256x256xf32, #tpu.memory_space<vmem>>, vector<256x256xf32>
    %dot_general3A = arith.constant dense<0.000000e+00> : vector<2000x256xf32>
    %dot_general3A_25 = tpu.matmul %get3A_21, %get3A_24, %dot_general3A {dimension_numbers = #tpu.dot_dimension_numbers<[1], [0], [0], [1], [0, 0, 1, 1], [], []>, transpose_lhs_hint = false} : vector<2000x256xf32>, vector<256x256xf32>, vector<2000x256xf32> -> vector<2000x256xf32>
    %max3A = arith.constant 1.000000e+00 : f32
    %max3A_26 = vector.broadcast %max3A : f32 to vector<2000x1xf32>
    %max3A_27 = arith.maximumf %add3A, %max3A_26 : vector<2000x1xf32>
    %div3A = vector.broadcast %max3A_27 : vector<2000x1xf32> to vector<2000x256xf32>
    %div3A_28 = arith.divf %concatenate3A, %div3A : vector<2000x256xf32>
    %add3A_29 = arith.addf %div3A_28, %dot_general3A_25 : vector<2000x256xf32>
    %get3A_30 = arith.constant 0 : index
    %get3A_31 = arith.constant 0 : index
    %get3A_32 = vector.load %arg5[%get3A_30, %get3A_31] : memref<1x256xf32, #tpu.memory_space<vmem>>, vector<1x256xf32>
    %add3A_33 = vector.broadcast %get3A_32 : vector<1x256xf32> to vector<2000x256xf32>
    %add3A_34 = arith.addf %add3A_29, %add3A_33 : vector<2000x256xf32>
    %max3A_35 = arith.constant 0.000000e+00 : f32
    %max3A_36 = vector.broadcast %max3A_35 : f32 to vector<2000x256xf32>
    %max3A_37 = arith.maximumf %add3A_34, %max3A_36 : vector<2000x256xf32>
    %swap3A = arith.constant 0 : index
    %swap3A_38 = arith.constant 0 : index
    %swap3A_39 = vector.load %arg6[%swap3A, %swap3A_38] : memref<2000x256xf32, #tpu.memory_space<vmem>>, vector<2000x256xf32>
    tpu.vector_store %arg6[%swap3A, %swap3A_38], %max3A_37 {strides = array<i32>} : memref<2000x256xf32, #tpu.memory_space<vmem>>, vector<2000x256xf32>,
    return
  }
  func.func @transform_0(%arg0: i32) -> (i32, i32, i32) {
    %c0_i32 = arith.constant 0 : i32
    %c0_i32_0 = arith.constant 0 : i32
    %c0_i32_1 = arith.constant 0 : i32
    return %c0_i32, %arg0, %c0_i32_0 : i32, i32, i32
  }
  func.func @transform_1(%arg0: i32) -> (i32, i32, i32) {
    %c0_i32 = arith.constant 0 : i32
    %c0_i32_0 = arith.constant 0 : i32
    %c0_i32_1 = arith.constant 0 : i32
    return %c0_i32, %arg0, %c0_i32_0 : i32, i32, i32
  }
  func.func @transform_2(%arg0: i32) -> (i32, i32) {
    %c0_i32 = arith.constant 0 : i32
    %c0_i32_0 = arith.constant 0 : i32
    return %arg0, %c0_i32 : i32, i32
  }
  func.func @transform_3(%arg0: i32) -> (i32, i32) {
    %c0_i32 = arith.constant 0 : i32
    %c0_i32_0 = arith.constant 0 : i32
    %c0_i32_1 = arith.constant 0 : i32
    return %c0_i32, %c0_i32_0 : i32, i32
  }
  func.func @transform_4(%arg0: i32) -> (i32, i32) {
    %c0_i32 = arith.constant 0 : i32
    %c0_i32_0 = arith.constant 0 : i32
    %c0_i32_1 = arith.constant 0 : i32
    return %c0_i32, %c0_i32_0 : i32, i32
  }
  func.func @transform_5(%arg0: i32) -> (i32, i32) {
    %c0_i32 = arith.constant 0 : i32
    %c0_i32_0 = arith.constant 0 : i32
    return %arg0, %c0_i32 : i32, i32
  }
}

</mosaic_0001>

<sc_bundles>
// kernel: kernel.6.cloned.1.call-start
scs
__scs_entry_jumppad:
0x0: {  	(pc) =	sbr.rel $0x88, $3  }
0x1: {  	(tag) =	ssettag $0x0;
	lr =	simm.s32 $0x1  }
0x2: {  	[smem:$0x3F9B] =	sst lr;
	_ =	strace $0xD0000000  }
0x3: {  	_ = 	snop  }
0x4: {  	_ = 	snop  }
0x5: {  	_ = 	snop  }
0x6: {  	_ = 	snop  }
0x7: {  	_ = 	snop  }
__scs_overlays_trampoline_lowered:
0x8: {  	[smem:$0x3FAA] =	sst s0  }
0x9: {  	[smem:$0x3FAB] =	sst s1  }
0xa: {  	[smem:$0x3FAC] =	sst s2  }
0xb: {  	[smem:$0x3FAD] =	sst s3  }
0xc: {  	[smem:$0x3FAE] =	sst s4  }
0xd: {  	[smem:$0x3FAF] =	sst s5  }
0xe: {  	[smem:$0x3FB0] =	sst s6  }
0xf: {  	[smem:$0x3FB1] =	sst s7  }
0x10: {  	[smem:$0x3FB2] =	sst s8  }
0x11: {  	[smem:$0x3FB3] =	sst s9;
	s0 =	simm.s32 @!p0 $0x0  }
0x12: {  	s1 =	sld [smem:$0x3F99];
	s0 =	simm.s32 @p0 $0x1  }
0x13: {  	[smem:$0x3FB4] =	sst s0;
	s0 =	simm.s32 @!p1 $0x0  }
0x14: {  	s2 =	sld [smem:$0x3F98];
	s0 =	simm.s32 @p1 $0x1  }
0x15: {  	[smem:$0x3FB5] =	sst s0;
	s0 =	simm.s32 @!p2 $0x0  }
0x16: {  	s3 =	sld [smem:$0x3FDB];
	s0 =	simm.s32 @p2 $0x1  }
0x17: {  	s4 =	simm.s32 $0x1BF5;
	[smem:$0x3FB7] =	sst s0  }
0x18: {  	s0 =	sld [smem:$0x3F9A];
	_ =	swait.ge [sflag:s4], $0x0  }
0x19: {  	s7 =	sld [smem:$0x3F9B]  }
0x1a: {  	s8 =	sadd.s32 $0xFFFFE003, lr  }
0x1b: {  	s9 =	sadd.s32 $0xFFFFFEF7, lr;
	s5 =	simm.s32 $0xFFFFFFFF;
	p2 =	slt.u32 s8, $0xFFFFF086  }
0x1c: {  	p1 =	slt.u32 s9, $0xF7A;
	s5 =	simm.s32 @!p2 $0x0  }
0x1d: {  	s5 =	simm.s32 @p1 $0x1;
	p0 =	seq.s32 s7, s2  }
0x1e: {  	s7 =	smul.u32 @!p0 $0xF7A, s2;
	p2 =	seq.s32 @!p0 s5, $0x0  }
0x1f: {  	s9 =	smul.u32 $0xF7A, s1;
	s8 =	simm.s32 @!p0 $0x1BF5;
	p2 =	por !p2, p0  }
0x20: {  	[sflag:s8] =	ssyncset.s32 @!p0 $0xFFFFF086;
	s6 =	sadd.s32 @!p0 s3, s7;
	s7 =	simm.s32 @!p0 $0x108  }
0x21: {  	s3 =	sadd.s32 s3, s9;
	s6 =	sadd.s32 @!p0 $0x88, s6;
	s7 =	simm.s32 @p2 $0x1082  }
0x22: {  	[simem:s7], [sflag:s8] =	dma.local @!p0 [hbm:s6], $0xF7A  }
0x23: {  	s9 =	sor.u32 $0xD0000000, s2;
	s6 =	simm.s32 $0x108;
	_ =	swait.ge @!p0 [sflag:s8], $0x0  }
0x24: {  	s3 =	sadd.s32 $0x88, s3;
	s6 =	simm.s32 @!p1 $0x1082;
	[sflag:s4] =	ssyncset.s32 $0xFFFFF086  }
0x25: {  	[simem:s6], [sflag:s4] =	dma.local [hbm:s3], $0xF7A  }
0x26: {  	[smem:$0x3F9B] =	sst s1;
	(tag) =	ssettag s2;
	_ =	strace s9  }
0x27: {  	s1 =	sld [smem:$0x3FAB]  }
0x28: {  	s2 =	sld [smem:$0x3FAC]  }
0x29: {  	s4 =	sld [smem:$0x3FAE]  }
0x2a: {  	p0 =	seq.s32 s5, $0x0;
	s5 =	sld [smem:$0x3FAF]  }
0x2b: {  	s6 =	sld [smem:$0x3FB0]  }
0x2c: {  	s7 =	sld [smem:$0x3FB1]  }
0x2d: {  	s3 =	simm.s32 $0x108;
	s8 =	sld [smem:$0x3FB2]  }
0x2e: {  	s3 =	simm.s32 @!p0 $0x1082;
	s9 =	sld [smem:$0x3FB3]  }
0x2f: {  	lr =	sadd.s32 s0, s3;
	s0 =	sld [smem:$0x3FAA]  }
0x30: {  	s3 =	sld [smem:$0x3FAD]  }
0x31: {  	[smem:$0x3FB6] =	sst s10  }
0x32: {  	s10 =	sld [smem:$0x3FB4];
	_ =	sdelay $0x3  }
0x33: {  	p0 =	seq.s32 s10, $0x1;
	s10 =	sld [smem:$0x3FB6];
	_ =	sdelay $0x3  }
0x34: {  	[smem:$0x3FB6] =	sst s10  }
0x35: {  	s10 =	sld [smem:$0x3FB5];
	_ =	sdelay $0x3  }
0x36: {  	p1 =	seq.s32 s10, $0x1;
	s10 =	sld [smem:$0x3FB6];
	_ =	sdelay $0x3  }
0x37: {  	[smem:$0x3FB6] =	sst s10  }
0x38: {  	s10 =	sld [smem:$0x3FB7]  }
0x39: {  	_ = 	snop;
	(pc) =	sbr.ind lr, $3  }
0x3a: {  	_ = 	snop  }
0x3b: {  	_ = 	snop  }
0x3c: {  	p2 =	seq.s32 s10, $0x1;
	s10 =	sld [smem:$0x3FB6]  }
0x3d: {  	_ =	shalt  }
0x3e: {  	_ =	shalt  }
0x3f: {  	_ =	shalt  }
0x40: {  	_ =	shalt  }
0x41: {  	_ =	shalt  }
0x42: {  	_ =	shalt  }
0x43: {  	_ =	shalt  }
0x44: {  	_ =	shalt  }
0x45: {  	_ =	shalt  }
0x46: {  	_ =	shalt  }
0x47: {  	_ =	shalt  }
0x48: {  	_ =	shalt  }
0x49: {  	_ =	shalt  }
0x4a: {  	_ =	shalt  }
0x4b: {  	_ =	shalt  }
0x4c: {  	_ =	shalt  }
0x4d: {  	_ =	shalt  }
0x4e: {  	_ =	shalt  }
0x4f: {  	_ =	shalt  }
0x50: {  	_ =	shalt  }
0x51: {  	_ =	shalt  }
0x52: {  	_ =	shalt  }
0x53: {  	_ =	shalt  }
0x54: {  	_ =	shalt  }
0x55: {  	_ =	shalt  }
0x56: {  	_ =	shalt  }
0x57: {  	_ =	shalt  }
0x58: {  	_ =	shalt  }
0x59: {  	_ =	shalt  }
0x5a: {  	_ =	shalt  }
0x5b: {  	_ =	shalt  }
0x5c: {  	_ =	shalt  }
0x5d: {  	_ =	shalt  }
0x5e: {  	_ =	shalt  }
0x5f: {  	_ =	shalt  }
0x60: {  	_ =	shalt  }
0x61: {  	_ =	shalt  }
0x62: {  	_ =	shalt  }
0x63: {  	_ =	shalt  }
0x64: {  	_ =	shalt  }
0x65: {  	_ =	shalt  }
0x66: {  	_ =	shalt  }
0x67: {  	_ =	shalt  }
0x68: {  	_ =	shalt  }
0x69: {  	_ =	shalt  }
0x6a: {  	_ =	shalt  }
0x6b: {  	_ =	shalt  }
0x6c: {  	_ =	shalt  }
0x6d: {  	_ =	shalt  }
0x6e: {  	_ =	shalt  }
0x6f: {  	_ =	shalt  }
0x70: {  	_ =	shalt  }
0x71: {  	_ =	shalt  }
0x72: {  	_ =	shalt  }
0x73: {  	_ =	shalt  }
0x74: {  	_ =	shalt  }
0x75: {  	_ =	shalt  }
0x76: {  	_ =	shalt  }
0x77: {  	_ =	shalt  }
0x78: {  	_ =	shalt  }
0x79: {  	_ =	shalt  }
0x7a: {  	_ =	shalt  }
0x7b: {  	_ =	shalt  }
0x7c: {  	_ =	shalt  }
0x7d: {  	_ =	shalt  }
0x7e: {  	_ =	shalt  }
0x7f: {  	_ =	shalt  }
0x80: {  	_ =	shalt  }
0x81: {  	_ =	shalt  }
0x82: {  	_ =	shalt  }
0x83: {  	_ =	shalt  }
0x84: {  	_ =	shalt  }
0x85: {  	_ =	shalt  }
0x86: {  	_ =	shalt  }
0x87: {  	_ =	shalt  }
.Lfunc_end0:
.L_simem_size_0:
called_computation_lowered:
.L_overlay_start_0:
0x88: {  	s2 =	sld [smem:$0x3FD9]  }
0x89: {  	s3 =	sld [smem:$0x3FFE];
	_ =	sdelay $0x1  }
0x8a: {  	s1 =	srdreg.scid  }
0x8b: {  	s0 =	sand.u32 $0x1, s1  }
0x8c: {  	s17 =	sshll.u32 s0, $0xA;
	s2 =	sadd.s32 s3, s2  }
0x8d: {  	s2 =	sadd.s32 s2, s17  }
0x8e: {  	[smem:$0x3FC2] =	sst s2  }
0x8f: {  	_ = 	snop  }
0x90: {  	s2 =	sld [smem:$0x3FD0];
	(tm) =	ssettm $0x1  }
0x91: {  	s18 =	sld [smem:$0x3FFB];
	_ =	sdelay $0x3  }
0x92: {  	_ =	strace s18  }
0x93: {  	s3 =	sld [smem:$0x3FFC];
	_ =	sdelay $0x3  }
0x94: {  	_ =	strace s3  }
0x95: {  	s3 =	sld [smem:$0x3FFD];
	_ =	sdelay $0x3  }
0x96: {  	_ =	strace s3  }
0x97: {  	_ =	strace $0x8FFFFFFF  }
0x98: {  	s19 =	sld [smem:$0x3FDB];
	_ =	sdelay $0x1  }
0x99: {  	s4 =	simm.s32 $_scs_section_size  }
0x9a: {  	s5 =	simm.s32 $_size__tile_overlayer_lowered;
	s6 =	simm.s32 $_tile_overlayer_lowered  }
0x9b: {  	s22 =	simm.s32 $0x1BFF;
	s21 =	sshll.u32 s6, $0x1;
	s3 =	sadd.s32 s4, s19  }
0x9c: {  	s7 =	simm.s32 $0x0;
	s20 =	sshll.u32 s5, $0x1;
	s5 =	sadd.s32 s21, s3  }
0x9d: {  	[timem:s7], [sflag:s22] =	dma.local [hbm:s5], s20  }
0x9e: {  	_ =	swait.ge [sflag:s22], s20  }
0x9f: {  	s4 =	ssub.s32 $0x0, s20;
	[sflag:s22] =	ssyncset.done $0x0  }
0xa0: {  	[sflag:s22] =	ssyncadd.s32 s4;
	_ =	sdelay $0x1  }
0xa1: {  	s23 =	simm.s32 $0x1B8B  }
0xa2: {  	_ =	swait.ge [sflag:s23], $0x1  }
0xa3: {  	[sflag:s23] =	ssyncset.done $0x0  }
0xa4: {  	s25 =	simm.s32 $0x1B8E;
	s24 =	sld [smem:$0x3FFE];
	[sflag:s23] =	ssyncadd.s32 $0xFFFFFFFF  }
0xa5: {  	s26 =	simm.s32 $execute0_lowered;
	[smem:$0x3FD2] =	sst s25  }
0xa6: {  	s5 =	sshll.u32 s26, $0x1;
	_ =	strace $0x80000046;
	[dreg:$0x1] =	wrdreg $0xFFFFFFFF  }
0xa7: {  	s28 =	simm.s32 $_size_execute0_lowered;
	s3 =	sadd.s32 s3, s5;
	[dreg:$0x0] =	wrdreg $0x0  }
0xa8: {  	s5 =	sshll.u32 s28, $0x1;
	[dreg:$0x2] =	wrdreg s3  }
0xa9: {  	[dreg:$0x3] =	wrdreg s5  }
0xaa: {  	[dreg:$0x4] =	wrdreg $0xC0  }
0xab: {  	_ =	task [dreg:s7], $0x5FFFF  }
0xac: {  	[dreg:$0x1] =	wrdreg $0xFFFFFFFF  }
0xad: {  	[dreg:$0x0] =	wrdreg $0x60  }
0xae: {  	[dreg:$0x2] =	wrdreg s2  }
0xaf: {  	[dreg:$0x3] =	wrdreg s24  }
0xb0: {  	[dreg:$0x4] =	wrdreg $0x0  }
0xb1: {  	[dreg:$0x5] =	wrdreg $0x13C000  }
0xb2: {  	[dreg:$0x6] =	wrdreg $0x9  }
0xb3: {  	_ =	task.clear_ibuf [dreg:s7], $0x7FFFF;
	_ =	strace $0x90000046  }
0xb4: {  	s29 =	simm.s32 $0x9;
	_ =	strace $0x80000048  }
0xb5: {  	_ =	swait.ge [sflag:s29], $0x1  }
0xb6: {  	[sflag:s29] =	ssyncadd.s32 $0xFFFFFFFF  }
0xb7: {  	_ =	strace $0x90000048  }
0xb8: {  	_ =	sfence  }
0xb9: {  	s30 =	sld [smem:$0x0];
	_ =	sdelay $0x2  }
0xba: {  	s31 =	sshll.u32 s1, $0xD;
	s1 =	sshrl.u32 s1, $0x2  }
0xbb: {  	s3 =	sand.u32 $0x4000, s31;
	s1 =	sadd.s32 s1, s30  }
0xbc: {  	s0 =	sor.u32 s3, s0;
	s1 =	sshll.u32 s1, $0x11  }
0xbd: {  	s0 =	sor.u32 s1, s0  }
0xbe: {  	s0 =	sadd.s32 $0x8F2B, s0  }
0xbf: {  	[sflag:s0] =	ssyncadd.remote.s32 $0x1  }
0xc0: {  	_ =	sfence.sel $0xFFFF  }
0xc1: {  	[dreg:$0x0] =	wrdreg $0xFFFFFFFF;
	(pc) =	sbr.abs _section_cstart, $3  }
0xc2: {  	[dreg:$0x1] =	wrdreg $0xFFFFFFFF  }
0xc3: {  	_ =	task.clear_ibuf [dreg:s7], $0x2FFFF;
	_ =	strace $0x9FFFFFFF  }
0xc4: {  	(tm) =	ssettm $0x7FFFFFFF  }
0xc5: {  	_ =	shalt  }
tec
execute0_lowered:
.L_overlay_start_1:
0x0: {  	(tag) =	ssettag $0x1  }
0x1: {  	s1 =	rddreg [dreg:$0x0]  }
0x2: {  	s2 =	rddreg [dreg:$0x1]  }
0x3: {  	s3 =	rddreg [dreg:$0x2]  }
0x4: {  	s4 =	rddreg [dreg:$0x3];
	s0 =	srdreg.scid;
	s6 =	simm.s32 $0x0  }
0x5: {  	s16 =	stileid.u32;
	s28 =	simm.s32 $0x7;
	s29 =	simm.s32 $0x13E78  }
0x6: {  	s30 =	simm.s32 $0x50;
	s31 =	simm.s32 $0x16878;
	s7 =	smul.u32 $0x13C00, s16  }
0x7: {  	s5 =	sand.u32 $0x1, s0;
	[smem:$0x7FF] =	sst s6;
	s12 =	smul.u32 $0x4F000, s16  }
0x8: {  	s8 =	sadd.s32 $0x8800, s2;
	s9 =	sadd.s32 $0x56A00, s2;
	s0 =	smul.u32 $0x13C000, s5  }
0x9: {  	s10 =	sadd.s32 $0x800, s2;
	s11 =	sadd.s32 $0x66A00, s2;
	s13 =	smul.u32 $0x500, s5  }
0xa: {  	p0 =	sne.s32 s16, $0x0;
	_ =	strace $0x80000047;
	s14 =	ssub.s32 $0x2, s5  }
0xb: {  	s15 =	sshrl.u32 s14, $0x1;
	s0 =	sadd.s32 s7, s0;
	s13 =	sadd.s32 s13, s2  }
0xc: {  	s7 =	sshrl.u32 s12, $0x2;
	s15 =	ssub.s32 s14, s15;
	s25 =	sadd.s32 $0x2D7A00, s13  }
0xd: {  	s12 =	sadd.s32 s7, s3;
	s26 =	smax.u32 s15, $0x1;
	[dreg:$0xd] =	wrdreg s25  }
0xe: {  	s24 =	sshll.u32 s5, $0x12;
	s17 =	sadd.s32 $0x2800, s12;
	[dreg:$0xe] =	wrdreg s26  }
0xf: {  	s14 =	simm.s32 $0x2;
	s18 =	sadd.s32 $0x5000, s12;
	[dreg:$0x5] =	wrdreg s17  }
0x10: {  	s0 =	sshrl.u32 s0, $0x3;
	s19 =	sadd.s32 $0x7800, s12;
	[dreg:$0x6] =	wrdreg s18  }
0x11: {  	s7 =	simm.s32 $0x14078;
	s20 =	sadd.s32 $0xA000, s12;
	[dreg:$0x7] =	wrdreg s19  }
0x12: {  	s13 =	simm.s32 $0x1;
	s21 =	sadd.s32 $0xC800, s12;
	[dreg:$0x8] =	wrdreg s20  }
0x13: {  	s0 =	sadd.s32 s0, s2;
	s22 =	sadd.s32 $0xF000, s12;
	[dreg:$0x9] =	wrdreg s21  }
0x14: {  	s23 =	sadd.s32 $0x11800, s12;
	s26 =	simm.s32 $0x19078;
	[dreg:$0xa] =	wrdreg s22  }
0x15: {  	[dreg:$0xb] =	wrdreg s23;
	s20 =	sshll.u32 s16, $0xE;
	s21 =	smul.u32 $0x138800, s16  }
0x16: {  	s0 =	sadd.s32 $0x2D8400, s0;
	s17 =	simm.s32 $0x6;
	s18 =	simm.s32 $0x0  }
0x17: {  	v0 =	vimm.f32 $0.0e+00;
	s22 =	sor.u32 s20, s24;
	[dreg:$0xc] =	wrdreg s0;
	s0 =	simm.s32 $0x13EF8  }
.LBB2_1:
0x18: {  	s19 =	simm.s32 $0x0;
	s23 =	simm.s32 $0x200  }
.LBB2_2:
0x19: {  	p1 =	sne.s32 s23, $0x9E00;
	[tilespmem:s19+$0x190E8] =	vst v0  }
0x1a: {  	[tilespmem:s19+$0x19078] =	vst v0  }
0x1b: {  	[tilespmem:s19+$0x19088] =	vst v0  }
.Ltmp0:
0x1c: {  	[tilespmem:s19+$0x19098] =	vst v0;
	(pc) =	sbr.rel @p1 .LBB2_2-.Ltmp0, $4  }
0x1d: {  	[tilespmem:s19+$0x190A8] =	vst v0  }
0x1e: {  	[tilespmem:s19+$0x190B8] =	vst v0  }
0x1f: {  	[tilespmem:s19+$0x190C8] =	vst v0  }
0x20: {  	[tilespmem:s19+$0x190D8] =	vst v0;
	s19 =	sshra.s32 s23, $0x2;
	s23 =	sadd.s32 $0x200, s23  }
0x21: {  	[tilespmem:s19+$0x190E8] =	vst v0  }
0x22: {  	[tilespmem:s19+$0x19078] =	vst v0  }
0x23: {  	[tilespmem:s19+$0x19088] =	vst v0  }
0x24: {  	[tilespmem:s19+$0x19098] =	vst v0  }
0x25: {  	[tilespmem:s19+$0x190A8] =	vst v0  }
0x26: {  	[tilespmem:s19+$0x190B8] =	vst v0  }
0x27: {  	[tilespmem:s19+$0x190C8] =	vst v0  }
0x28: {  	[tilespmem:s19+$0x190D8] =	vst v0  }
0x29: {  	[spmem:s12] =	stream.linear.scatter [tilespmem:s26], [sflag:$0x7], $0x2800, $0x38;
	[tilespmem:$0x1E078] =	vst v63  }
0x2a: {  	_ =	swait.ge [sflag:s28], $0x2800  }
0x2b: {  	[sflag:s28] =	ssyncset.done $0x0  }
0x2c: {  	s15 =	rddreg [dreg:$0x5];
	[sflag:s28] =	ssyncadd.s32 $0xFFFFD800  }
0x2d: {  	[spmem:s15] =	stream.linear.scatter [tilespmem:s26], [sflag:$0x7], $0x2800, $0x38;
	[tilespmem:$0x1E078] =	vst v63  }
0x2e: {  	_ =	swait.ge [sflag:s28], $0x2800  }
0x2f: {  	[sflag:s28] =	ssyncset.done $0x0  }
0x30: {  	s25 =	rddreg [dreg:$0x6];
	[sflag:s28] =	ssyncadd.s32 $0xFFFFD800  }
0x31: {  	[spmem:s25] =	stream.linear.scatter [tilespmem:s26], [sflag:$0x7], $0x2800, $0x38;
	[tilespmem:$0x1E078] =	vst v63  }
0x32: {  	_ =	swait.ge [sflag:s28], $0x2800  }
0x33: {  	[sflag:s28] =	ssyncset.done $0x0  }
0x34: {  	s16 =	rddreg [dreg:$0x7];
	[sflag:s28] =	ssyncadd.s32 $0xFFFFD800  }
0x35: {  	[spmem:s16] =	stream.linear.scatter [tilespmem:s26], [sflag:$0x7], $0x2800, $0x38;
	[tilespmem:$0x1E078] =	vst v63  }
0x36: {  	_ =	swait.ge [sflag:s28], $0x2800  }
0x37: {  	[sflag:s28] =	ssyncset.done $0x0  }
0x38: {  	s19 =	rddreg [dreg:$0x8];
	[sflag:s28] =	ssyncadd.s32 $0xFFFFD800  }
0x39: {  	[spmem:s19] =	stream.linear.scatter [tilespmem:s26], [sflag:$0x7], $0x2800, $0x38;
	[tilespmem:$0x1E078] =	vst v63  }
0x3a: {  	_ =	swait.ge [sflag:s28], $0x2800  }
0x3b: {  	[sflag:s28] =	ssyncset.done $0x0  }
0x3c: {  	s23 =	rddreg [dreg:$0x9];
	[sflag:s28] =	ssyncadd.s32 $0xFFFFD800  }
0x3d: {  	[spmem:s23] =	stream.linear.scatter [tilespmem:s26], [sflag:$0x7], $0x2800, $0x38;
	[tilespmem:$0x1E078] =	vst v63  }
0x3e: {  	_ =	swait.ge [sflag:s28], $0x2800  }
0x3f: {  	[sflag:s28] =	ssyncset.done $0x0  }
0x40: {  	s24 =	rddreg [dreg:$0xa];
	[sflag:s28] =	ssyncadd.s32 $0xFFFFD800  }
0x41: {  	[spmem:s24] =	stream.linear.scatter [tilespmem:s26], [sflag:$0x7], $0x2800, $0x38;
	[tilespmem:$0x1E078] =	vst v63  }
0x42: {  	_ =	swait.ge [sflag:s28], $0x2800  }
0x43: {  	[sflag:s28] =	ssyncset.done $0x0  }
0x44: {  	s25 =	rddreg [dreg:$0xb];
	[sflag:s28] =	ssyncadd.s32 $0xFFFFD800  }
0x45: {  	[spmem:s25] =	stream.linear.scatter [tilespmem:s26], [sflag:$0x7], $0x2400, $0x38;
	[tilespmem:$0x1E078] =	vst v63  }
0x46: {  	_ =	swait.ge [sflag:s28], $0x2400  }
0x47: {  	[sflag:s28] =	ssyncset.done $0x0  }
0x48: {  	s19 =	simm.s32 @!p0 $0x19078;
	[sflag:s28] =	ssyncadd.s32 $0xFFFFDC00  }
0x49: {  	[spmem:s4] =	stream.linear.scatter @!p0 [tilespmem:s19], [sflag:$0x7], $0x2780, $0x38;
	[tilespmem:$0x1E078] =	vst v63  }
0x4a: {  	s19 =	simm.s32 @!p0 $0x7  }
0x4b: {  	_ =	swait.ge @!p0 [sflag:s19], $0x2780  }
0x4c: {  	[sflag:s19] =	ssyncset.done @!p0 $0x0  }
0x4d: {  	[sflag:s19] =	ssyncadd.s32 @!p0 $0xFFFFD880  }
0x4e: {  	s23 =	simm.s32 $0x0;
	s19 =	simm.s32 $0x0;
	[bflag:$0x0] =	sbarrier.arrive $0xFFFF  }
.LBB2_4:
0x4f: {  	s24 =	sshll.u32 s23, $0x7  }
0x50: {  	s25 =	sand.u32 $0x3C00, s24  }
0x51: {  	s24 =	sand.u32 $0x380, s24;
	s15 =	sor.u32 s22, s25  }
0x52: {  	s15 =	sor.u32 s24, s15  }
0x53: {  	s15 =	sshrl.u32 s15, $0x3  }
0x54: {  	s15 =	sadd.s32 s9, s15  }
0x55: {  	[tilespmem:s29], [sflag:$0x7] =	stream.linear.gather [hbm4b:s15+s6], $0x80, $0x38;
	[tilespmem:$0x1E078] =	vst v63  }
0x56: {  	_ =	swait.ge [sflag:s28], $0x80  }
0x57: {  	p1 =	seq.s32 s23, $0x0;
	[sflag:s28] =	ssyncset.done $0x0  }
0x58: {  	s15 =	simm.s32 @!p1 $0x3;
	[sflag:s28] =	ssyncadd.s32 $0xFFFFFF80  }
0x59: {  	_ =	swait.ge @!p1 [sflag:s15], $0x2800  }
0x5a: {  	[sflag:s15] =	ssyncset.done @!p1 $0x0  }
0x5b: {  	[sflag:s15] =	ssyncadd.s32 @!p1 $0xFFFFD800;
	s15 =	simm.s32 @!p1 $0x4  }
0x5c: {  	_ =	swait.ge @!p1 [sflag:s15], $0x2800  }
0x5d: {  	s16 =	sor.u32 s20, s25;
	[sflag:s15] =	ssyncset.done @!p1 $0x0  }
0x5e: {  	[sflag:s15] =	ssyncadd.s32 @!p1 $0xFFFFD800;
	s15 =	sor.u32 s24, s16  }
0x5f: {  	[tilespmem:s31], [sflag:$0x1] =	stream.indirect.gather [hbm4b:s1+s30], $0x80, s29, s30, $0xb8;
	[tilespmem:$0x1E078] =	vst v63  }
0x60: {  	s24 =	sand.u32 $0x1, s23;
	s15 =	sshrl.u32 s15, $0x3  }
0x61: {  	[tilespmem:s26], [sflag:$0x2] =	stream.indirect.gather [hbm4b:s8+s30], $0x80, s29, s30, $0xb8;
	[tilespmem:$0x1E078] =	vst v63  }
0x62: {  	p1 =	sne.s32 s24, s5;
	s15 =	sadd.s32 s10, s15  }
0x63: {  	[tilespmem:s0], [sflag:$0x7] =	stream.linear.gather [hbm4b:s15+s6], $0x80, $0x38;
	[tilespmem:$0x1E078] =	vst v63  }
0x64: {  	p2 =	slt.u32 @!p1 s23, $0x2;
	_ =	swait.ge [sflag:s28], $0x80  }
0x65: {  	p2 =	por p2, p1;
	[sflag:s28] =	ssyncset.done $0x0  }
0x66: {  	s15 =	simm.s32 @!p2 $0x6;
	[sflag:s28] =	ssyncadd.s32 $0xFFFFFF80  }
0x67: {  	_ =	swait.ge @!p2 [sflag:s15], $0x2800  }
0x68: {  	[sflag:s15] =	ssyncset.done @!p2 $0x0  }
0x69: {  	[sflag:s15] =	ssyncadd.s32 @!p2 $0xFFFFD800  }
0x6a: {  	v1 =	vld @!p1 [tilespmem:$0x13EF8];
	_ =	sdelay $0x1  }
0x6b: {  	v2 =	vld @!p1 [tilespmem:$0x13F08];
	_ =	sdelay $0x1  }
0x6c: {  	v3 =	vld @!p1 [tilespmem:$0x13F18]  }
0x6d: {  	v4 =	vshra.s32 @!p1 v1, $0x7  }
0x6e: {  	v1 =	vand.u32 @!p1 $0x7F, v1;
	[tilespmem:$0x13F78] =	vst @!p1 v4;
	v4 =	vld @!p1 [tilespmem:$0x13F28]  }
0x6f: {  	[tilespmem:$0x13FF8] =	vst @!p1 v1;
	v1 =	vshra.s32 @!p1 v2, $0x7  }
0x70: {  	[tilespmem:$0x13F88] =	vst @!p1 v1;
	v1 =	vand.u32 @!p1 $0x7F, v2;
	v2 =	vld @!p1 [tilespmem:$0x13F38]  }
0x71: {  	[tilespmem:$0x14008] =	vst @!p1 v1;
	v1 =	vshra.s32 @!p1 v3, $0x7  }
0x72: {  	[tilespmem:$0x13F98] =	vst @!p1 v1;
	v1 =	vand.u32 @!p1 $0x7F, v3  }
0x73: {  	[tilespmem:$0x14018] =	vst @!p1 v1;
	v1 =	vshra.s32 @!p1 v4, $0x7  }
0x74: {  	[tilespmem:$0x13FA8] =	vst @!p1 v1;
	v1 =	vand.u32 @!p1 $0x7F, v4  }
0x75: {  	[tilespmem:$0x14028] =	vst @!p1 v1;
	v1 =	vshra.s32 @!p1 v2, $0x7  }
0x76: {  	s16 =	smul.u32 $0x2800, s23;
	[tilespmem:$0x13FB8] =	vst @!p1 v1;
	v1 =	vand.u32 @!p1 $0x7F, v2  }
0x77: {  	s24 =	simm.s32 @!p1 $0x13FF8;
	s25 =	simm.s32 @!p1 $0x1B878;
	s15 =	simm.s32 @!p1 $0x50;
	[tilespmem:$0x14038] =	vst @!p1 v1  }
0x78: {  	[tilespmem:s25], [sflag:$0x5] =	stream.indirect.gather @!p1 [hbm4b:s2+s15], $0x80, s24, s15, $0xb8;
	[tilespmem:$0x1E078] =	vst v63  }
0x79: {  	s25 =	sadd.s32 s21, s16  }
0x7a: {  	s15 =	sshrl.u32 s25, $0x3  }
0x7b: {  	s15 =	sadd.s32 s11, s15  }
0x7c: {  	[tilespmem:s7], [sflag:$0x7] =	stream.linear.gather [hbm4b:s15+s19], $0x2800, $0x38;
	[tilespmem:$0x1E078] =	vst v63  }
0x7d: {  	_ =	swait.ge [sflag:s28], $0x2800  }
0x7e: {  	[sflag:s28] =	ssyncset.done $0x0  }
0x7f: {  	[sflag:s28] =	ssyncadd.s32 $0xFFFFD800  }
0x80: {  	_ =	swait.ge [sflag:s13], $0x2800  }
0x81: {  	[sflag:s13] =	ssyncset.done $0x0  }
0x82: {  	[sflag:s13] =	ssyncadd.s32 $0xFFFFD800  }
0x83: {  	[spmem:s3] =	stream.indirect.scatter.add.f32 [tilespmem:s31], [sflag:$0x3], $0x80, s0, s30, $0xb8;
	[tilespmem:$0x1E078] =	vst v63  }
0x84: {  	_ =	swait.ge [sflag:s14], $0x2800  }
0x85: {  	[sflag:s14] =	ssyncset.done $0x0  }
0x86: {  	s24 =	simm.s32 $0x0;
	[sflag:s14] =	ssyncadd.s32 $0xFFFFD800  }
0x87: {  	v1 =	vld [tilespmem:s24+$0x14078]  }
0x88: {  	v5 =	vld [tilespmem:s24+$0x19078]  }
0x89: {  	v7 =	vld [tilespmem:s24+$0x19088]  }
0x8a: {  	v6 =	vld [tilespmem:s24+$0x19098]  }
0x8b: {  	v4 =	vld [tilespmem:s24+$0x190A8]  }
0x8c: {  	v2 =	vld [tilespmem:s24+$0x190B8]  }
0x8d: {  	v3 =	vld [tilespmem:s24+$0x190C8];
	v8 =	vmul.f32 v5, v1  }
0x8e: {  	s25 =	simm.s32 $0x200;
	v7 =	vmul.f32 v7, v1;
	v5 =	vld [tilespmem:s24+$0x190D8]  }
.LBB2_5:
0x8f: {  	s15 =	sshra.s32 s25, $0x2;
	p2 =	sne.s32 s25, $0x9E00;
	[tilespmem:s24+$0x19078] =	vst v8;
	v6 =	vmul.f32 v6, v1;
	v8 =	vld [tilespmem:s24+$0x190E8]  }
0x90: {  	v9 =	vld [tilespmem:s15+$0x14078];
	[tilespmem:s24+$0x19088] =	vst v7;
	v4 =	vmul.f32 v4, v1  }
0x91: {  	v7 =	vld [tilespmem:s15+$0x19078];
	[tilespmem:s24+$0x19098] =	vst v6;
	v2 =	vmul.f32 v2, v1  }
0x92: {  	v10 =	vld [tilespmem:s15+$0x19088];
	[tilespmem:s24+$0x190A8] =	vst v4;
	v3 =	vmul.f32 v3, v1  }
.Ltmp1:
0x93: {  	v6 =	vld [tilespmem:s15+$0x19098];
	[tilespmem:s24+$0x190B8] =	vst v2;
	v5 =	vmul.f32 v5, v1;
	(pc) =	sbr.rel @p2 .LBB2_5-.Ltmp1, $4  }
0x94: {  	v4 =	vld [tilespmem:s15+$0x190A8];
	[tilespmem:s24+$0x190C8] =	vst v3;
	v11 =	vmul.f32 v8, v1  }
0x95: {  	v2 =	vld [tilespmem:s15+$0x190B8];
	[tilespmem:s24+$0x190D8] =	vst v5;
	v1 =	vmov v9  }
0x96: {  	v8 =	vmul.f32 v7, v1;
	v3 =	vld [tilespmem:s15+$0x190C8];
	[tilespmem:s24+$0x190E8] =	vst v11;
	s24 =	smov.u32 s15  }
0x97: {  	s25 =	sadd.s32 $0x200, s25;
	v7 =	vmul.f32 v10, v1;
	v5 =	vld [tilespmem:s24+$0x190D8]  }
0x98: {  	[tilespmem:s24+$0x19078] =	vst v8;
	v6 =	vmul.f32 v6, v1;
	v63 =	vld [tilespmem:s24+$0x190E8]  }
0x99: {  	[tilespmem:s24+$0x19088] =	vst v7;
	v4 =	vmul.f32 v4, v1  }
0x9a: {  	[tilespmem:s24+$0x19098] =	vst v6;
	v2 =	vmul.f32 v2, v1  }
0x9b: {  	[tilespmem:s24+$0x190A8] =	vst v4;
	v3 =	vmul.f32 v3, v1  }
0x9c: {  	[tilespmem:s24+$0x190B8] =	vst v2;
	v2 =	vmul.f32 v5, v1  }
0x9d: {  	[tilespmem:s24+$0x190C8] =	vst v3;
	v1 =	vmul.f32 v63, v1  }
0x9e: {  	[tilespmem:s24+$0x190D8] =	vst v2  }
0x9f: {  	s15 =	simm.s32 @!p1 $0x5;
	[tilespmem:s24+$0x190E8] =	vst v1  }
0xa0: {  	[spmem:s3] =	stream.indirect.scatter.add.f32 [tilespmem:s26], [sflag:$0x4], $0x80, s0, s30, $0xb8;
	[tilespmem:$0x1E078] =	vst v63  }
0xa1: {  	_ =	swait.ge @!p1 [sflag:s15], $0x2800  }
0xa2: {  	s16 =	simm.s32 @!p1 $0x13F78;
	s23 =	sadd.s32 $0x1, s23;
	[sflag:s15] =	ssyncset.done @!p1 $0x0  }
0xa3: {  	s24 =	simm.s32 @!p1 $0x1B878;
	[sflag:s15] =	ssyncadd.s32 @!p1 $0xFFFFD800;
	s15 =	simm.s32 @!p1 $0x50  }
0xa4: {  	[spmem:s4] =	stream.indirect.scatter.add.f32 @!p1 [tilespmem:s24], [sflag:$0x6], $0x80, s16, s15, $0xb8;
	[tilespmem:$0x1E078] =	vst v63  }
0xa5: {  	p1 =	sne.s32 s23, $0x7D  }
.Ltmp2:
0xa6: {  	_ = 	snop;
	(pc) =	sbr.rel @p1 .LBB2_4-.Ltmp2, $1  }
0xa7: {  	_ =	sdelay $0x3  }
0xa8: {  	s15 =	simm.s32 $0x3  }
0xa9: {  	_ =	swait.ge [sflag:s15], $0x2800  }
0xaa: {  	[sflag:s15] =	ssyncset.done $0x0  }
0xab: {  	s23 =	simm.s32 $0x4;
	[sflag:s15] =	ssyncadd.s32 $0xFFFFD800  }
0xac: {  	_ =	swait.ge [sflag:s23], $0x2800  }
0xad: {  	[sflag:s23] =	ssyncset.done $0x0  }
0xae: {  	[sflag:s23] =	ssyncadd.s32 $0xFFFFD800  }
0xaf: {  	_ =	swait.ge [sflag:s17], $0x2800  }
0xb0: {  	[sflag:s17] =	ssyncset.done $0x0  }
0xb1: {  	s24 =	stileid.u32;
	[sflag:s17] =	ssyncadd.s32 $0xFFFFD800  }
0xb2: {  	s15 =	sshll.u32 s24, $0x6;
	[bflag:$0x0] =	sbarrier.arrive $0xFFFF  }
0xb3: {  	s16 =	sshrl.u32 s12, $0x3;
	s15 =	sor.u32 $0x1C07, s15;
	s19 =	rddreg [dreg:$0xc]  }
0xb4: {  	[hbm:s19], [sflag:s15] =	dma.local [spmem:s16], $0x2780  }
0xb5: {  	_ =	swait.ge [sflag:s28], $0x2780  }
0xb6: {  	[sflag:s28] =	ssyncset.done $0x0  }
0xb7: {  	s16 =	sshrl.u32 @!p0 s4, $0x3;
	s19 =	rddreg [dreg:$0xd];
	[sflag:s28] =	ssyncadd.s32 $0xFFFFD880  }
0xb8: {  	[hbm:s19], [sflag:s15] =	dma.local @!p0 [spmem:s16], $0x4F0  }
0xb9: {  	s15 =	simm.s32 @!p0 $0x7  }
0xba: {  	_ =	swait.ge @!p0 [sflag:s15], $0x4F0  }
0xbb: {  	s18 =	sadd.s32 $0x1, s18;
	s25 =	rddreg [dreg:$0xe]  }
0xbc: {  	p1 =	sne.s32 s18, s25  }
.Ltmp3:
0xbd: {  	_ = 	snop;
	(pc) =	sbr.rel @p1 .LBB2_1-.Ltmp3, $3  }
0xbe: {  	_ =	sdelay $0x1  }
0xbf: {  	[sflag:s15] =	ssyncset.done @!p0 $0x0  }
0xc0: {  	[sflag:s15] =	ssyncadd.s32 @!p0 $0xFFFFFB10  }
0xc1: {  	_ =	sfence.sel $0x180000  }
0xc2: {  	[bflag:$0x0] =	sbarrier.arrive $0xFFFF  }
0xc3: {  	_ =	strace $0x90000047  }
0xc4: {  	[bflag:$0x2] =	sbarrier.arrive $0xFFFF  }
0xc5: {  	s0 =	rddreg [dreg:$0x4]  }
0xc6: {  	s0 =	sadd.s32 @!p0 $0x100000, s0  }
0xc7: {  	[sflag:s0] =	ssyncadd.tile.s32 @!p0 $0x1;
	_ =	shalt  }
.Lfunc_end2:
_tile_overlayer_lowered:
.L_overlay_start_2:
0xc8: {  	(tag) =	ssettag $0x2  }
0xc9: {  	s0 =	rddreg [dreg:$0x0];
	s2 =	stileid.u32  }
0xca: {  	s1 =	rddreg [dreg:$0x1];
	p0 =	sne.s32 s2, $0x0  }
0xcb: {  	s3 =	rddreg [dreg:$0x2];
	[bflag:$0x3] =	sbarrier.arrive $0xFFFF;
	s2 =	simm.s32 @!p0 $0x1C07  }
0xcc: {  	[timem:s3], [sflag:s2] =	dma.local @!p0 [hbm:s0], s1  }
0xcd: {  	s0 =	simm.s32 @!p0 $0x7  }
0xce: {  	_ =	swait.ge @!p0 [sflag:s0], s1  }
0xcf: {  	s1 =	ssub.s32 @!p0 $0x0, s1;
	[sflag:s0] =	ssyncset.done @!p0 $0x0  }
0xd0: {  	[sflag:s0] =	ssyncadd.s32 @!p0 s1  }
0xd1: {  	[bflag:$0x3] =	sbarrier.arrive $0xFFFF  }
0xd2: {  	_ =	shalt  }

</sc_bundles>
